<compile_context>
chip_gen: v7x
topology: tpu7x:2x2x1
jax: 0.10.2.dev20260603
libtpu: 0.0.44.dev20260713+nightly
codegen_flags: <defaults>
</compile_context>

<pallas_src>
import functools

import jax
import jax.numpy as jnp
from jax import lax
from jax.experimental import pallas as pl
from jax.experimental.pallas import tpu as pltpu
from jax.experimental.pallas import tpu_sc as plsc

NC, NS, L = 2, 16, 16
NW = NC * NS
N = 1_000_000
C = 8_000
NCHUNK = N // C
GRP = C // L
FULL = NCHUNK // NW
REM = NCHUNK % NW
MAXC = FULL + 1

B = 262_144
NB = -(-N // B)
TZ = 1_520
M_PAD = N + NW * TZ
assert M_PAD >= NB * B

_mesh = plsc.VectorSubcoreMesh(core_axis_name="c", subcore_axis_name="s")
_params = pltpu.CompilerParams(needs_layout_passes=False)


@functools.partial(
    pl.kernel,
    out_type=jax.ShapeDtypeStruct((M_PAD,), jnp.float32),
    mesh=_mesh,
    compiler_params=_params,
    scratch_types=[
        pltpu.VMEM((128,), jnp.float32),
        [pltpu.VMEM((C,), jnp.int32) for _ in range(MAXC)],
        [pltpu.VMEM((C,), jnp.float32) for _ in range(MAXC)],
        pltpu.VMEM((TZ,), jnp.float32),
        pltpu.SemaphoreType.DMA,
        pltpu.SemaphoreType.DMA,
    ],
)
def _sc_gather_masses(z_hbm, tab_hbm, m_hbm, tab_v, z_v, m_v, zt_v, zsem, osem):
    wid = lax.axis_index("s") * NC + lax.axis_index("c")
    pltpu.sync_copy(tab_hbm, tab_v.at[pl.ds(0, 119)])
    has_extra = wid < REM

    copies = []
    for k in range(MAXC):
        c = wid + k * NW
        cp = pltpu.make_async_copy(z_hbm.at[pl.ds(c * C, C)], z_v[k], zsem)
        if k < FULL:
            cp.start()
        else:
            @pl.when(has_extra)
            def _(cp=cp):
                cp.start()
        copies.append(cp)

    @plsc.parallel_loop(0, TZ // L)
    def _(j):
        zt_v[pl.ds(j * L, L)] = jnp.zeros((L,), jnp.float32)

    tail_cp = pltpu.make_async_copy(
        zt_v, m_hbm.at[pl.ds(N + wid * TZ, TZ)], osem
    )
    tail_cp.start()

    out_copies = []
    for k in range(MAXC):
        c = wid + k * NW
        ocp = pltpu.make_async_copy(m_v[k], m_hbm.at[pl.ds(c * C, C)], osem)

        def _do(k=k, cp=copies[k], ocp=ocp):
            cp.wait()

            @plsc.parallel_loop(0, GRP, unroll=8)
            def _(g):
                z = z_v[k][pl.ds(g * L, L)]
                m_v[k][pl.ds(g * L, L)] = plsc.load_gather(tab_v, [z])

            ocp.start()

        if k < FULL:
            _do()
        else:
            pl.when(has_extra)(_do)
        out_copies.append(ocp)

    tail_cp.wait()
    for k in range(MAXC):
        if k < FULL:
            out_copies[k].wait()
        else:
            @pl.when(has_extra)
            def _(ocp=out_copies[k]):
                ocp.wait()


LASTV = N - (NB - 1) * B
LASTT = LASTV - (LASTV % 128)
TAILB = (N - 1) // 128


def _tc_fused_body(m_ref, pos_hbm, ptail_ref, out_ref, big_ref, acc_ref, am_ref, com_ref, sem):
    p = pl.program_id(0)
    i = pl.program_id(1)

    def _copy(k):
        w = B if k < NB - 1 else LASTT
        return pltpu.make_async_copy(
            pos_hbm.at[:, pl.ds(k * B, w)], big_ref.at[k, :, pl.ds(0, w)], sem
        )

    @pl.when(jnp.logical_and(p == 0, i == 0))
    def _():
        acc_ref[...] = jnp.zeros_like(acc_ref)
        am_ref[...] = jnp.zeros_like(am_ref)
        for k in range(NB):
            _copy(k).start()

    for k in range(NB):
        @pl.when(jnp.logical_and(p == 0, i == k))
        def _(k=k):
            _copy(k).wait()

    def _accumulate(masked):
        if masked:
            big_ref[NB - 1, :, pl.ds(LASTT, 128)] = ptail_ref[...]
        m1 = m_ref[...]
        mp = m1.reshape(1, B) * big_ref[i]
        if masked:
            lane = lax.broadcasted_iota(jnp.int32, (3, B), 1)
            mp = jnp.where(lane < LASTV, mp, 0.0)
        acc_ref[0:3, 0:1] += jnp.sum(mp, axis=1, keepdims=True)
        am_ref[...] += m1

    pl.when(jnp.logical_and(p == 0, i < NB - 1))(lambda: _accumulate(False))
    pl.when(jnp.logical_and(p == 0, i == NB - 1))(lambda: _accumulate(True))

    @pl.when(jnp.logical_and(p == 1, i == 0))
    def _():
        sm = jnp.sum(am_ref[...])
        com_ref[0:3, :] = jnp.broadcast_to(acc_ref[0:3, 0:1] / sm, (3, 128))

    @pl.when(p == 1)
    def _():
        out_ref[...] = big_ref[i] - com_ref[0:3, 0:1]


_tc_fused = pl.pallas_call(
    _tc_fused_body,
    grid=(2, NB),
    in_specs=[
        pl.BlockSpec((B,), lambda p, i: (i * (1 - p),)),
        pl.BlockSpec(memory_space=pl.ANY),
        pl.BlockSpec((3, 128), lambda p, i: (0, TAILB)),
    ],
    out_specs=pl.BlockSpec((3, B), lambda p, i: (0, i * p)),
    out_shape=jax.ShapeDtypeStruct((3, N), jnp.float32),
    scratch_shapes=[
        pltpu.VMEM((NB, 3, B), jnp.float32),
        pltpu.VMEM((4, 128), jnp.float32),
        pltpu.VMEM((B,), jnp.float32),
        pltpu.VMEM((4, 128), jnp.float32),
        pltpu.SemaphoreType.DMA,
    ],
)


def kernel(Z, position, atomic_masses):
    post = position.T
    m = _sc_gather_masses(Z, atomic_masses)
    outt = _tc_fused(m, post, post)
    return outt.T

# --- scband reference (transcript-rebuilt; emitter-appended) ---
"""Pipeline reference for scband-subtract-center-of-mass-1614907703801 (READ-ONLY COPY).

The authoritative reference and input builder live on the scoring server;
editing this copy changes nothing except your own understanding.
"""

import jax, jax.numpy as jnp
import numpy as np


def setup_inputs(seed: int = 0) -> dict:
    key = jax.random.key(seed)
    k1, k2, k3 = jax.random.split(key, 3)
    N = 1000000
    # atomic numbers, in-range for a 119-entry periodic-table mass lookup
    Z = jax.random.randint(k1, (N,), 0, 119, dtype=jnp.int32)
    position = jax.random.normal(k2, (N, 3), dtype=jnp.float32) * 10.0
    # stand-in for ase.data.atomic_masses: 119 positive masses
    atomic_masses = jax.random.uniform(k3, (119,), dtype=jnp.float32, minval=1.0, maxval=238.0)
    return {"Z": Z, "position": position, "atomic_masses": atomic_masses}


def reference(Z, position, atomic_masses):
    # masses = torch.tensor(atomic_masses[inputs[Structure.Z]])  -> gather (embedding lookup)
    masses = jnp.take(atomic_masses, Z, axis=0)
    # COM = sum_i m_i * r_i / sum_i m_i  (reduction over atoms)
    com = jnp.sum(masses[:, None] * position, axis=0) / jnp.sum(masses)
    # inputs[Structure.position] -= COM
    return position - com

if __name__ == "__main__":
    import jax
    _d = setup_inputs()
    print(jax.jit(kernel)(*tuple(_d.values())))

</pallas_src>

<mosaic_0001>
#map = affine_map<(d0, d1) -> (0)>
module attributes {stable_mosaic.version = 14 : i64} {
  func.func @_sc_gather_masses(%arg0: i32, %arg1: i32, %arg2: memref<1000000xi32, #tpu.memory_space<hbm>>, %arg3: memref<119xf32, #tpu.memory_space<hbm>>, %arg4: memref<1048640xf32, #tpu.memory_space<hbm>>, %arg5: memref<128xf32, #tpu.memory_space<vmem>>, %arg6: memref<8000xi32, #tpu.memory_space<vmem>>, %arg7: memref<8000xi32, #tpu.memory_space<vmem>>, %arg8: memref<8000xi32, #tpu.memory_space<vmem>>, %arg9: memref<8000xi32, #tpu.memory_space<vmem>>, %arg10: memref<8000xf32, #tpu.memory_space<vmem>>, %arg11: memref<8000xf32, #tpu.memory_space<vmem>>, %arg12: memref<8000xf32, #tpu.memory_space<vmem>>, %arg13: memref<8000xf32, #tpu.memory_space<vmem>>, %arg14: memref<1520xf32, #tpu.memory_space<vmem>>, %arg15: memref<!tpu.dma_semaphore, #tpu.memory_space<semaphore_mem>>, %arg16: memref<!tpu.dma_semaphore, #tpu.memory_space<semaphore_mem>>) attributes {dimension_semantics = [#tpu.dimension_semantics<core_parallel>, #tpu.dimension_semantics<subcore_parallel>], iteration_bounds = array<i64: 2, 16>, scalar_prefetch = 0 : i64, scratch_operands = 12 : i64, tpu.core_type = #tpu.core_type<sc_vector_subcore>, window_params = [{transform_indices = #map}, {transform_indices = #map}, {transform_indices = #map}]} {
    %mul3A = arith.constant 2 : i32
    %mul3A_0 = arith.muli %arg1, %mul3A : i32
    %add3A = arith.addi %mul3A_0, %arg0 : i32
    "tpu.region"() ({
      %run_scoped3A = tpu.sem_alloc : memref<!tpu.dma_semaphore, #tpu.memory_space<semaphore_mem>>
      %dma_start3A_82 = arith.constant 0 : i32
      %dma_start3A_83 = tpu.memref_slice %arg5[%dma_start3A_82] : memref<128xf32, #tpu.memory_space<vmem>> -> memref<119xf32, #tpu.memory_space<vmem>>
      %dma_start3A_84 = arith.constant 0 : i32
      %dma_start3A_85 = tpu.memref_slice %arg5[%dma_start3A_84] : memref<128xf32, #tpu.memory_space<vmem>> -> memref<119xf32, #tpu.memory_space<vmem>>
      tpu.enqueue_dma source(%arg3 : memref<119xf32, #tpu.memory_space<hbm>>) target(%dma_start3A_85 : memref<119xf32, #tpu.memory_space<vmem>>) target_semaphore(%run_scoped3A : memref<!tpu.dma_semaphore, #tpu.memory_space<semaphore_mem>>)
      %dma_wait3A_86 = arith.constant 0 : i32
      %dma_wait3A_87 = tpu.memref_slice %arg5[%dma_wait3A_86] : memref<128xf32, #tpu.memory_space<vmem>> -> memref<119xf32, #tpu.memory_space<vmem>>
      %dma_wait3A_88 = arith.constant 0 : i32
      %dma_wait3A_89 = tpu.memref_slice %arg5[%dma_wait3A_88] : memref<128xf32, #tpu.memory_space<vmem>> -> memref<119xf32, #tpu.memory_space<vmem>>
      tpu.wait_dma2 semaphore(%run_scoped3A : memref<!tpu.dma_semaphore, #tpu.memory_space<semaphore_mem>>) src(%arg3 : memref<119xf32, #tpu.memory_space<hbm>>) dst(%dma_wait3A_89 : memref<119xf32, #tpu.memory_space<vmem>>)
      tpu.yield
    }) : () -> ()
    %lt3A = arith.constant 29 : i32
    %lt3A_1 = arith.cmpi slt, %add3A, %lt3A : i32
    %add3A_2 = arith.constant 0 : i32
    %add3A_3 = arith.addi %add3A, %add3A_2 : i32
    %mul3A_4 = arith.constant 8000 : i32
    %mul3A_5 = arith.muli %add3A_3, %mul3A_4 : i32
    %dma_start3A = tpu.memref_slice %arg2[%mul3A_5] : memref<1000000xi32, #tpu.memory_space<hbm>> -> memref<8000xi32, #tpu.memory_space<hbm>>
    %dma_start3A_6 = tpu.memref_slice %arg2[%mul3A_5] : memref<1000000xi32, #tpu.memory_space<hbm>> -> memref<8000xi32, #tpu.memory_space<hbm>>
    tpu.enqueue_dma source(%dma_start3A_6 : memref<8000xi32, #tpu.memory_space<hbm>>) target(%arg6 : memref<8000xi32, #tpu.memory_space<vmem>>) target_semaphore(%arg15 : memref<!tpu.dma_semaphore, #tpu.memory_space<semaphore_mem>>)
    %add3A_7 = arith.constant 32 : i32
    %add3A_8 = arith.addi %add3A, %add3A_7 : i32
    %mul3A_9 = arith.constant 8000 : i32
    %mul3A_10 = arith.muli %add3A_8, %mul3A_9 : i32
    %dma_start3A_11 = tpu.memref_slice %arg2[%mul3A_10] : memref<1000000xi32, #tpu.memory_space<hbm>> -> memref<8000xi32, #tpu.memory_space<hbm>>
    %dma_start3A_12 = tpu.memref_slice %arg2[%mul3A_10] : memref<1000000xi32, #tpu.memory_space<hbm>> -> memref<8000xi32, #tpu.memory_space<hbm>>
    tpu.enqueue_dma source(%dma_start3A_12 : memref<8000xi32, #tpu.memory_space<hbm>>) target(%arg7 : memref<8000xi32, #tpu.memory_space<vmem>>) target_semaphore(%arg15 : memref<!tpu.dma_semaphore, #tpu.memory_space<semaphore_mem>>)
    %add3A_13 = arith.constant 64 : i32
    %add3A_14 = arith.addi %add3A, %add3A_13 : i32
    %mul3A_15 = arith.constant 8000 : i32
    %mul3A_16 = arith.muli %add3A_14, %mul3A_15 : i32
    %dma_start3A_17 = tpu.memref_slice %arg2[%mul3A_16] : memref<1000000xi32, #tpu.memory_space<hbm>> -> memref<8000xi32, #tpu.memory_space<hbm>>
    %dma_start3A_18 = tpu.memref_slice %arg2[%mul3A_16] : memref<1000000xi32, #tpu.memory_space<hbm>> -> memref<8000xi32, #tpu.memory_space<hbm>>
    tpu.enqueue_dma source(%dma_start3A_18 : memref<8000xi32, #tpu.memory_space<hbm>>) target(%arg8 : memref<8000xi32, #tpu.memory_space<vmem>>) target_semaphore(%arg15 : memref<!tpu.dma_semaphore, #tpu.memory_space<semaphore_mem>>)
    %add3A_19 = arith.constant 96 : i32
    %add3A_20 = arith.addi %add3A, %add3A_19 : i32
    %mul3A_21 = arith.constant 8000 : i32
    %mul3A_22 = arith.muli %add3A_20, %mul3A_21 : i32
    %convert_element_type3A = arith.extui %lt3A_1 : i1 to i32
    %cond3A = arith.constant 0 : i32
    %cond3A_23 = arith.cmpi ne, %convert_element_type3A, %cond3A : i32
    scf.if %cond3A_23 {
      %dma_start3A_82 = tpu.memref_slice %arg2[%mul3A_22] : memref<1000000xi32, #tpu.memory_space<hbm>> -> memref<8000xi32, #tpu.memory_space<hbm>>
      %dma_start3A_83 = tpu.memref_slice %arg2[%mul3A_22] : memref<1000000xi32, #tpu.memory_space<hbm>> -> memref<8000xi32, #tpu.memory_space<hbm>>
      tpu.enqueue_dma source(%dma_start3A_83 : memref<8000xi32, #tpu.memory_space<hbm>>) target(%arg9 : memref<8000xi32, #tpu.memory_space<vmem>>) target_semaphore(%arg15 : memref<!tpu.dma_semaphore, #tpu.memory_space<semaphore_mem>>)
    } else {
    }
    %parallel_loop3A = arith.constant 0 : i32
    %parallel_loop3A_24 = arith.constant 95 : i32
    %parallel_loop3A_25 = arith.constant 1 : i32
    scf.for %parallel_loop3A_82 = %parallel_loop3A to %parallel_loop3A_24 step %parallel_loop3A_25  : i32 {
      %parallel_loop3A_83 = arith.constant 0.000000e+00 : f32
      %parallel_loop3A_84 = vector.broadcast %parallel_loop3A_83 : f32 to vector<16xf32>
      %parallel_loop3A_85 = arith.constant 16 : i32
      %parallel_loop3A_86 = arith.muli %parallel_loop3A_82, %parallel_loop3A_85 : i32
      %parallel_loop3A_87 = arith.index_cast %parallel_loop3A_86 : i32 to index
      %parallel_loop3A_88 = tpu.vector_load %arg14[%parallel_loop3A_87] {strides = array<i32>} : memref<1520xf32, #tpu.memory_space<vmem>>, vector<16xf32>,
      tpu.vector_store %arg14[%parallel_loop3A_87], %parallel_loop3A_84 {strides = array<i32>} : memref<1520xf32, #tpu.memory_space<vmem>>, vector<16xf32>,
    } {sc.loop_unroll_factor = 1 : i64, sc.parallel_access}
    %mul3A_26 = arith.constant 1520 : i32
    %mul3A_27 = arith.muli %add3A, %mul3A_26 : i32
    %add3A_28 = arith.constant 1000000 : i32
    %add3A_29 = arith.addi %add3A_28, %mul3A_27 : i32
    %dma_start3A_30 = tpu.memref_slice %arg4[%add3A_29] : memref<1048640xf32, #tpu.memory_space<hbm>> -> memref<1520xf32, #tpu.memory_space<hbm>>
    %dma_start3A_31 = tpu.memref_slice %arg4[%add3A_29] : memref<1048640xf32, #tpu.memory_space<hbm>> -> memref<1520xf32, #tpu.memory_space<hbm>>
    tpu.enqueue_dma source(%arg14 : memref<1520xf32, #tpu.memory_space<vmem>>) target(%dma_start3A_31 : memref<1520xf32, #tpu.memory_space<hbm>>) target_semaphore(%arg16 : memref<!tpu.dma_semaphore, #tpu.memory_space<semaphore_mem>>)
    %add3A_32 = arith.constant 0 : i32
    %add3A_33 = arith.addi %add3A, %add3A_32 : i32
    %mul3A_34 = arith.constant 8000 : i32
    %mul3A_35 = arith.muli %add3A_33, %mul3A_34 : i32
    %dma_wait3A = tpu.memref_slice %arg2[%mul3A_5] : memref<1000000xi32, #tpu.memory_space<hbm>> -> memref<8000xi32, #tpu.memory_space<hbm>>
    %dma_wait3A_36 = tpu.memref_slice %arg2[%mul3A_5] : memref<1000000xi32, #tpu.memory_space<hbm>> -> memref<8000xi32, #tpu.memory_space<hbm>>
    tpu.wait_dma2 semaphore(%arg15 : memref<!tpu.dma_semaphore, #tpu.memory_space<semaphore_mem>>) src(%dma_wait3A_36 : memref<8000xi32, #tpu.memory_space<hbm>>) dst(%arg6 : memref<8000xi32, #tpu.memory_space<vmem>>)
    %parallel_loop3A_37 = arith.constant 0 : i32
    %parallel_loop3A_38 = arith.constant 500 : i32
    %parallel_loop3A_39 = arith.constant 1 : i32
    scf.for %parallel_loop3A_82 = %parallel_loop3A_37 to %parallel_loop3A_38 step %parallel_loop3A_39  : i32 {
      %parallel_loop3A_83 = arith.constant 16 : i32
      %parallel_loop3A_84 = arith.muli %parallel_loop3A_82, %parallel_loop3A_83 : i32
      %parallel_loop3A_85 = arith.index_cast %parallel_loop3A_84 : i32 to index
      %parallel_loop3A_86 = tpu.vector_load %arg6[%parallel_loop3A_85] {strides = array<i32>} : memref<8000xi32, #tpu.memory_space<vmem>>, vector<16xi32>,
      %parallel_loop3A_87 = tpu.vector_load_idx %arg5[%parallel_loop3A_86] : memref<128xf32, #tpu.memory_space<vmem>>[vector<16xi32>], vector<16xf32>,
      %parallel_loop3A_88 = arith.constant 16 : i32
      %parallel_loop3A_89 = arith.muli %parallel_loop3A_82, %parallel_loop3A_88 : i32
      %parallel_loop3A_90 = arith.index_cast %parallel_loop3A_89 : i32 to index
      %parallel_loop3A_91 = tpu.vector_load %arg10[%parallel_loop3A_90] {strides = array<i32>} : memref<8000xf32, #tpu.memory_space<vmem>>, vector<16xf32>,
      tpu.vector_store %arg10[%parallel_loop3A_90], %parallel_loop3A_87 {strides = array<i32>} : memref<8000xf32, #tpu.memory_space<vmem>>, vector<16xf32>,
    } {sc.loop_unroll_factor = 8 : i64, sc.parallel_access}
    %dma_start3A_40 = tpu.memref_slice %arg4[%mul3A_35] : memref<1048640xf32, #tpu.memory_space<hbm>> -> memref<8000xf32, #tpu.memory_space<hbm>>
    %dma_start3A_41 = tpu.memref_slice %arg4[%mul3A_35] : memref<1048640xf32, #tpu.memory_space<hbm>> -> memref<8000xf32, #tpu.memory_space<hbm>>
    tpu.enqueue_dma source(%arg10 : memref<8000xf32, #tpu.memory_space<vmem>>) target(%dma_start3A_41 : memref<8000xf32, #tpu.memory_space<hbm>>) target_semaphore(%arg16 : memref<!tpu.dma_semaphore, #tpu.memory_space<semaphore_mem>>)
    %add3A_42 = arith.constant 32 : i32
    %add3A_43 = arith.addi %add3A, %add3A_42 : i32
    %mul3A_44 = arith.constant 8000 : i32
    %mul3A_45 = arith.muli %add3A_43, %mul3A_44 : i32
    %dma_wait3A_46 = tpu.memref_slice %arg2[%mul3A_10] : memref<1000000xi32, #tpu.memory_space<hbm>> -> memref<8000xi32, #tpu.memory_space<hbm>>
    %dma_wait3A_47 = tpu.memref_slice %arg2[%mul3A_10] : memref<1000000xi32, #tpu.memory_space<hbm>> -> memref<8000xi32, #tpu.memory_space<hbm>>
    tpu.wait_dma2 semaphore(%arg15 : memref<!tpu.dma_semaphore, #tpu.memory_space<semaphore_mem>>) src(%dma_wait3A_47 : memref<8000xi32, #tpu.memory_space<hbm>>) dst(%arg7 : memref<8000xi32, #tpu.memory_space<vmem>>)
    %parallel_loop3A_48 = arith.constant 0 : i32
    %parallel_loop3A_49 = arith.constant 500 : i32
    %parallel_loop3A_50 = arith.constant 1 : i32
    scf.for %parallel_loop3A_82 = %parallel_loop3A_48 to %parallel_loop3A_49 step %parallel_loop3A_50  : i32 {
      %parallel_loop3A_83 = arith.constant 16 : i32
      %parallel_loop3A_84 = arith.muli %parallel_loop3A_82, %parallel_loop3A_83 : i32
      %parallel_loop3A_85 = arith.index_cast %parallel_loop3A_84 : i32 to index
      %parallel_loop3A_86 = tpu.vector_load %arg7[%parallel_loop3A_85] {strides = array<i32>} : memref<8000xi32, #tpu.memory_space<vmem>>, vector<16xi32>,
      %parallel_loop3A_87 = tpu.vector_load_idx %arg5[%parallel_loop3A_86] : memref<128xf32, #tpu.memory_space<vmem>>[vector<16xi32>], vector<16xf32>,
      %parallel_loop3A_88 = arith.constant 16 : i32
      %parallel_loop3A_89 = arith.muli %parallel_loop3A_82, %parallel_loop3A_88 : i32
      %parallel_loop3A_90 = arith.index_cast %parallel_loop3A_89 : i32 to index
      %parallel_loop3A_91 = tpu.vector_load %arg11[%parallel_loop3A_90] {strides = array<i32>} : memref<8000xf32, #tpu.memory_space<vmem>>, vector<16xf32>,
      tpu.vector_store %arg11[%parallel_loop3A_90], %parallel_loop3A_87 {strides = array<i32>} : memref<8000xf32, #tpu.memory_space<vmem>>, vector<16xf32>,
    } {sc.loop_unroll_factor = 8 : i64, sc.parallel_access}
    %dma_start3A_51 = tpu.memref_slice %arg4[%mul3A_45] : memref<1048640xf32, #tpu.memory_space<hbm>> -> memref<8000xf32, #tpu.memory_space<hbm>>
    %dma_start3A_52 = tpu.memref_slice %arg4[%mul3A_45] : memref<1048640xf32, #tpu.memory_space<hbm>> -> memref<8000xf32, #tpu.memory_space<hbm>>
    tpu.enqueue_dma source(%arg11 : memref<8000xf32, #tpu.memory_space<vmem>>) target(%dma_start3A_52 : memref<8000xf32, #tpu.memory_space<hbm>>) target_semaphore(%arg16 : memref<!tpu.dma_semaphore, #tpu.memory_space<semaphore_mem>>)
    %add3A_53 = arith.constant 64 : i32
    %add3A_54 = arith.addi %add3A, %add3A_53 : i32
    %mul3A_55 = arith.constant 8000 : i32
    %mul3A_56 = arith.muli %add3A_54, %mul3A_55 : i32
    %dma_wait3A_57 = tpu.memref_slice %arg2[%mul3A_16] : memref<1000000xi32, #tpu.memory_space<hbm>> -> memref<8000xi32, #tpu.memory_space<hbm>>
    %dma_wait3A_58 = tpu.memref_slice %arg2[%mul3A_16] : memref<1000000xi32, #tpu.memory_space<hbm>> -> memref<8000xi32, #tpu.memory_space<hbm>>
    tpu.wait_dma2 semaphore(%arg15 : memref<!tpu.dma_semaphore, #tpu.memory_space<semaphore_mem>>) src(%dma_wait3A_58 : memref<8000xi32, #tpu.memory_space<hbm>>) dst(%arg8 : memref<8000xi32, #tpu.memory_space<vmem>>)
    %parallel_loop3A_59 = arith.constant 0 : i32
    %parallel_loop3A_60 = arith.constant 500 : i32
    %parallel_loop3A_61 = arith.constant 1 : i32
    scf.for %parallel_loop3A_82 = %parallel_loop3A_59 to %parallel_loop3A_60 step %parallel_loop3A_61  : i32 {
      %parallel_loop3A_83 = arith.constant 16 : i32
      %parallel_loop3A_84 = arith.muli %parallel_loop3A_82, %parallel_loop3A_83 : i32
      %parallel_loop3A_85 = arith.index_cast %parallel_loop3A_84 : i32 to index
      %parallel_loop3A_86 = tpu.vector_load %arg8[%parallel_loop3A_85] {strides = array<i32>} : memref<8000xi32, #tpu.memory_space<vmem>>, vector<16xi32>,
      %parallel_loop3A_87 = tpu.vector_load_idx %arg5[%parallel_loop3A_86] : memref<128xf32, #tpu.memory_space<vmem>>[vector<16xi32>], vector<16xf32>,
      %parallel_loop3A_88 = arith.constant 16 : i32
      %parallel_loop3A_89 = arith.muli %parallel_loop3A_82, %parallel_loop3A_88 : i32
      %parallel_loop3A_90 = arith.index_cast %parallel_loop3A_89 : i32 to index
      %parallel_loop3A_91 = tpu.vector_load %arg12[%parallel_loop3A_90] {strides = array<i32>} : memref<8000xf32, #tpu.memory_space<vmem>>, vector<16xf32>,
      tpu.vector_store %arg12[%parallel_loop3A_90], %parallel_loop3A_87 {strides = array<i32>} : memref<8000xf32, #tpu.memory_space<vmem>>, vector<16xf32>,
    } {sc.loop_unroll_factor = 8 : i64, sc.parallel_access}
    %dma_start3A_62 = tpu.memref_slice %arg4[%mul3A_56] : memref<1048640xf32, #tpu.memory_space<hbm>> -> memref<8000xf32, #tpu.memory_space<hbm>>
    %dma_start3A_63 = tpu.memref_slice %arg4[%mul3A_56] : memref<1048640xf32, #tpu.memory_space<hbm>> -> memref<8000xf32, #tpu.memory_space<hbm>>
    tpu.enqueue_dma source(%arg12 : memref<8000xf32, #tpu.memory_space<vmem>>) target(%dma_start3A_63 : memref<8000xf32, #tpu.memory_space<hbm>>) target_semaphore(%arg16 : memref<!tpu.dma_semaphore, #tpu.memory_space<semaphore_mem>>)
    %add3A_64 = arith.constant 96 : i32
    %add3A_65 = arith.addi %add3A, %add3A_64 : i32
    %mul3A_66 = arith.constant 8000 : i32
    %mul3A_67 = arith.muli %add3A_65, %mul3A_66 : i32
    %convert_element_type3A_68 = arith.extui %lt3A_1 : i1 to i32
    %cond3A_69 = arith.constant 0 : i32
    %cond3A_70 = arith.cmpi ne, %convert_element_type3A_68, %cond3A_69 : i32
    scf.if %cond3A_70 {
      %dma_wait3A_82 = tpu.memref_slice %arg2[%mul3A_22] : memref<1000000xi32, #tpu.memory_space<hbm>> -> memref<8000xi32, #tpu.memory_space<hbm>>
      %dma_wait3A_83 = tpu.memref_slice %arg2[%mul3A_22] : memref<1000000xi32, #tpu.memory_space<hbm>> -> memref<8000xi32, #tpu.memory_space<hbm>>
      tpu.wait_dma2 semaphore(%arg15 : memref<!tpu.dma_semaphore, #tpu.memory_space<semaphore_mem>>) src(%dma_wait3A_83 : memref<8000xi32, #tpu.memory_space<hbm>>) dst(%arg9 : memref<8000xi32, #tpu.memory_space<vmem>>)
      %parallel_loop3A_84 = arith.constant 0 : i32
      %parallel_loop3A_85 = arith.constant 500 : i32
      %parallel_loop3A_86 = arith.constant 1 : i32
      scf.for %parallel_loop3A_89 = %parallel_loop3A_84 to %parallel_loop3A_85 step %parallel_loop3A_86  : i32 {
        %parallel_loop3A_90 = arith.constant 16 : i32
        %parallel_loop3A_91 = arith.muli %parallel_loop3A_89, %parallel_loop3A_90 : i32
        %parallel_loop3A_92 = arith.index_cast %parallel_loop3A_91 : i32 to index
        %parallel_loop3A_93 = tpu.vector_load %arg9[%parallel_loop3A_92] {strides = array<i32>} : memref<8000xi32, #tpu.memory_space<vmem>>, vector<16xi32>,
        %parallel_loop3A_94 = tpu.vector_load_idx %arg5[%parallel_loop3A_93] : memref<128xf32, #tpu.memory_space<vmem>>[vector<16xi32>], vector<16xf32>,
        %parallel_loop3A_95 = arith.constant 16 : i32
        %parallel_loop3A_96 = arith.muli %parallel_loop3A_89, %parallel_loop3A_95 : i32
        %parallel_loop3A_97 = arith.index_cast %parallel_loop3A_96 : i32 to index
        %parallel_loop3A_98 = tpu.vector_load %arg13[%parallel_loop3A_97] {strides = array<i32>} : memref<8000xf32, #tpu.memory_space<vmem>>, vector<16xf32>,
        tpu.vector_store %arg13[%parallel_loop3A_97], %parallel_loop3A_94 {strides = array<i32>} : memref<8000xf32, #tpu.memory_space<vmem>>, vector<16xf32>,
      } {sc.loop_unroll_factor = 8 : i64, sc.parallel_access}
      %dma_start3A_87 = tpu.memref_slice %arg4[%mul3A_67] : memref<1048640xf32, #tpu.memory_space<hbm>> -> memref<8000xf32, #tpu.memory_space<hbm>>
      %dma_start3A_88 = tpu.memref_slice %arg4[%mul3A_67] : memref<1048640xf32, #tpu.memory_space<hbm>> -> memref<8000xf32, #tpu.memory_space<hbm>>
      tpu.enqueue_dma source(%arg13 : memref<8000xf32, #tpu.memory_space<vmem>>) target(%dma_start3A_88 : memref<8000xf32, #tpu.memory_space<hbm>>) target_semaphore(%arg16 : memref<!tpu.dma_semaphore, #tpu.memory_space<semaphore_mem>>)
    } else {
    }
    %dma_wait3A_71 = tpu.memref_slice %arg4[%add3A_29] : memref<1048640xf32, #tpu.memory_space<hbm>> -> memref<1520xf32, #tpu.memory_space<hbm>>
    %dma_wait3A_72 = tpu.memref_slice %arg4[%add3A_29] : memref<1048640xf32, #tpu.memory_space<hbm>> -> memref<1520xf32, #tpu.memory_space<hbm>>
    tpu.wait_dma2 semaphore(%arg16 : memref<!tpu.dma_semaphore, #tpu.memory_space<semaphore_mem>>) src(%arg14 : memref<1520xf32, #tpu.memory_space<vmem>>) dst(%dma_wait3A_72 : memref<1520xf32, #tpu.memory_space<hbm>>)
    %dma_wait3A_73 = tpu.memref_slice %arg4[%mul3A_35] : memref<1048640xf32, #tpu.memory_space<hbm>> -> memref<8000xf32, #tpu.memory_space<hbm>>
    %dma_wait3A_74 = tpu.memref_slice %arg4[%mul3A_35] : memref<1048640xf32, #tpu.memory_space<hbm>> -> memref<8000xf32, #tpu.memory_space<hbm>>
    tpu.wait_dma2 semaphore(%arg16 : memref<!tpu.dma_semaphore, #tpu.memory_space<semaphore_mem>>) src(%arg10 : memref<8000xf32, #tpu.memory_space<vmem>>) dst(%dma_wait3A_74 : memref<8000xf32, #tpu.memory_space<hbm>>)
    %dma_wait3A_75 = tpu.memref_slice %arg4[%mul3A_45] : memref<1048640xf32, #tpu.memory_space<hbm>> -> memref<8000xf32, #tpu.memory_space<hbm>>
    %dma_wait3A_76 = tpu.memref_slice %arg4[%mul3A_45] : memref<1048640xf32, #tpu.memory_space<hbm>> -> memref<8000xf32, #tpu.memory_space<hbm>>
    tpu.wait_dma2 semaphore(%arg16 : memref<!tpu.dma_semaphore, #tpu.memory_space<semaphore_mem>>) src(%arg11 : memref<8000xf32, #tpu.memory_space<vmem>>) dst(%dma_wait3A_76 : memref<8000xf32, #tpu.memory_space<hbm>>)
    %dma_wait3A_77 = tpu.memref_slice %arg4[%mul3A_56] : memref<1048640xf32, #tpu.memory_space<hbm>> -> memref<8000xf32, #tpu.memory_space<hbm>>
    %dma_wait3A_78 = tpu.memref_slice %arg4[%mul3A_56] : memref<1048640xf32, #tpu.memory_space<hbm>> -> memref<8000xf32, #tpu.memory_space<hbm>>
    tpu.wait_dma2 semaphore(%arg16 : memref<!tpu.dma_semaphore, #tpu.memory_space<semaphore_mem>>) src(%arg12 : memref<8000xf32, #tpu.memory_space<vmem>>) dst(%dma_wait3A_78 : memref<8000xf32, #tpu.memory_space<hbm>>)
    %convert_element_type3A_79 = arith.extui %lt3A_1 : i1 to i32
    %cond3A_80 = arith.constant 0 : i32
    %cond3A_81 = arith.cmpi ne, %convert_element_type3A_79, %cond3A_80 : i32
    scf.if %cond3A_81 {
      %dma_wait3A_82 = tpu.memref_slice %arg4[%mul3A_67] : memref<1048640xf32, #tpu.memory_space<hbm>> -> memref<8000xf32, #tpu.memory_space<hbm>>
      %dma_wait3A_83 = tpu.memref_slice %arg4[%mul3A_67] : memref<1048640xf32, #tpu.memory_space<hbm>> -> memref<8000xf32, #tpu.memory_space<hbm>>
      tpu.wait_dma2 semaphore(%arg16 : memref<!tpu.dma_semaphore, #tpu.memory_space<semaphore_mem>>) src(%arg13 : memref<8000xf32, #tpu.memory_space<vmem>>) dst(%dma_wait3A_83 : memref<8000xf32, #tpu.memory_space<hbm>>)
    } else {
    }
    return
  }
}

module attributes {stable_mosaic.version = 14 : i64} {
  func.func @_tc_fused_body(%arg0: i32, %arg1: i32, %arg2: memref<262144xf32, #tpu.memory_space<vmem>>, %arg3: memref<3x1000000xf32, #tpu.memory_space<any>>, %arg4: memref<3x128xf32, #tpu.memory_space<vmem>>, %arg5: memref<3x262144xf32, #tpu.memory_space<vmem>>, %arg6: memref<4x3x262144xf32, #tpu.memory_space<vmem>>, %arg7: memref<4x128xf32, #tpu.memory_space<vmem>>, %arg8: memref<262144xf32, #tpu.memory_space<vmem>>, %arg9: memref<4x128xf32, #tpu.memory_space<vmem>>, %arg10: memref<!tpu.dma_semaphore, #tpu.memory_space<semaphore_mem>>) attributes {dimension_semantics = [#tpu.dimension_semantics<arbitrary>, #tpu.dimension_semantics<arbitrary>], iteration_bounds = array<i64: 2, 4>, scalar_prefetch = 0 : i64, scratch_operands = 5 : i64, tpu.core_type = #tpu.core_type<tc>, window_params = [{transform_indices = @transform_0, window_bounds = array<i64: 262144>}, {}, {transform_indices = @transform_2, window_bounds = array<i64: 3, 128>}, {transform_indices = @transform_3, window_bounds = array<i64: 3, 262144>}]} {
    %eq3A = arith.constant 0 : i32
    %eq3A_0 = arith.cmpi eq, %arg0, %eq3A : i32
    %eq3A_1 = arith.constant 0 : i32
    %eq3A_2 = arith.cmpi eq, %arg1, %eq3A_1 : i32
    %and3A = arith.andi %eq3A_0, %eq3A_2 : i1
    %convert_element_type3A = arith.extui %and3A : i1 to i32
    %cond3A = arith.constant 0 : i32
    %cond3A_3 = arith.cmpi ne, %convert_element_type3A, %cond3A : i32
    scf.if %cond3A_3 {
      %broadcast_in_dim3A = arith.constant 0.000000e+00 : f32
      %broadcast_in_dim3A_64 = vector.broadcast %broadcast_in_dim3A : f32 to vector<4x128xf32>
      %swap3A = arith.constant 0 : index
      %swap3A_65 = arith.constant 0 : index
      %swap3A_66 = vector.load %arg7[%swap3A, %swap3A_65] : memref<4x128xf32, #tpu.memory_space<vmem>>, vector<4x128xf32>
      tpu.vector_store %arg7[%swap3A, %swap3A_65], %broadcast_in_dim3A_64 {strides = array<i32>} : memref<4x128xf32, #tpu.memory_space<vmem>>, vector<4x128xf32>,
      %broadcast_in_dim3A_67 = arith.constant 0.000000e+00 : f32
      %broadcast_in_dim3A_68 = vector.broadcast %broadcast_in_dim3A_67 : f32 to vector<262144xf32>
      %swap3A_69 = arith.constant 0 : index
      %swap3A_70 = vector.load %arg8[%swap3A_69] : memref<262144xf32, #tpu.memory_space<vmem>>, vector<262144xf32>
      tpu.vector_store %arg8[%swap3A_69], %broadcast_in_dim3A_68 {strides = array<i32>} : memref<262144xf32, #tpu.memory_space<vmem>>, vector<262144xf32>,
      %dma_start3A = arith.constant 0 : i32
      %dma_start3A_71 = arith.constant 0 : i32
      %dma_start3A_72 = arith.constant 0 : i32
      %dma_start3A_73 = tpu.memref_slice %arg6[%dma_start3A, %dma_start3A_71, %dma_start3A_72] : memref<4x3x262144xf32, #tpu.memory_space<vmem>> -> memref<1x3x262144xf32, #tpu.memory_space<vmem>>
      %dma_start3A_74 = tpu.memref_squeeze %dma_start3A_73 : memref<1x3x262144xf32, #tpu.memory_space<vmem>> -> memref<3x262144xf32, #tpu.memory_space<vmem>>
      %dma_start3A_75 = arith.constant 0 : i32
      %dma_start3A_76 = arith.constant 0 : i32
      %dma_start3A_77 = tpu.memref_slice %arg3[%dma_start3A_75, %dma_start3A_76] : memref<3x1000000xf32, #tpu.memory_space<any>> -> memref<3x262144xf32, #tpu.memory_space<any>>
      tpu.enqueue_dma source(%dma_start3A_77 : memref<3x262144xf32, #tpu.memory_space<any>>) target(%dma_start3A_74 : memref<3x262144xf32, #tpu.memory_space<vmem>>) target_semaphore(%arg10 : memref<!tpu.dma_semaphore, #tpu.memory_space<semaphore_mem>>)
      %dma_start3A_78 = arith.constant 1 : i32
      %dma_start3A_79 = arith.constant 0 : i32
      %dma_start3A_80 = arith.constant 0 : i32
      %dma_start3A_81 = tpu.memref_slice %arg6[%dma_start3A_78, %dma_start3A_79, %dma_start3A_80] : memref<4x3x262144xf32, #tpu.memory_space<vmem>> -> memref<1x3x262144xf32, #tpu.memory_space<vmem>>
      %dma_start3A_82 = tpu.memref_squeeze %dma_start3A_81 : memref<1x3x262144xf32, #tpu.memory_space<vmem>> -> memref<3x262144xf32, #tpu.memory_space<vmem>>
      %dma_start3A_83 = arith.constant 0 : i32
      %dma_start3A_84 = arith.constant 262144 : i32
      %dma_start3A_85 = tpu.memref_slice %arg3[%dma_start3A_83, %dma_start3A_84] : memref<3x1000000xf32, #tpu.memory_space<any>> -> memref<3x262144xf32, #tpu.memory_space<any>>
      tpu.enqueue_dma source(%dma_start3A_85 : memref<3x262144xf32, #tpu.memory_space<any>>) target(%dma_start3A_82 : memref<3x262144xf32, #tpu.memory_space<vmem>>) target_semaphore(%arg10 : memref<!tpu.dma_semaphore, #tpu.memory_space<semaphore_mem>>)
      %dma_start3A_86 = arith.constant 2 : i32
      %dma_start3A_87 = arith.constant 0 : i32
      %dma_start3A_88 = arith.constant 0 : i32
      %dma_start3A_89 = tpu.memref_slice %arg6[%dma_start3A_86, %dma_start3A_87, %dma_start3A_88] : memref<4x3x262144xf32, #tpu.memory_space<vmem>> -> memref<1x3x262144xf32, #tpu.memory_space<vmem>>
      %dma_start3A_90 = tpu.memref_squeeze %dma_start3A_89 : memref<1x3x262144xf32, #tpu.memory_space<vmem>> -> memref<3x262144xf32, #tpu.memory_space<vmem>>
      %dma_start3A_91 = arith.constant 0 : i32
      %dma_start3A_92 = arith.constant 524288 : i32
      %dma_start3A_93 = tpu.memref_slice %arg3[%dma_start3A_91, %dma_start3A_92] : memref<3x1000000xf32, #tpu.memory_space<any>> -> memref<3x262144xf32, #tpu.memory_space<any>>
      tpu.enqueue_dma source(%dma_start3A_93 : memref<3x262144xf32, #tpu.memory_space<any>>) target(%dma_start3A_90 : memref<3x262144xf32, #tpu.memory_space<vmem>>) target_semaphore(%arg10 : memref<!tpu.dma_semaphore, #tpu.memory_space<semaphore_mem>>)
      %dma_start3A_94 = arith.constant 3 : i32
      %dma_start3A_95 = arith.constant 0 : i32
      %dma_start3A_96 = arith.constant 0 : i32
      %dma_start3A_97 = tpu.memref_slice %arg6[%dma_start3A_94, %dma_start3A_95, %dma_start3A_96] : memref<4x3x262144xf32, #tpu.memory_space<vmem>> -> memref<1x3x213504xf32, #tpu.memory_space<vmem>>
      %dma_start3A_98 = tpu.memref_squeeze %dma_start3A_97 : memref<1x3x213504xf32, #tpu.memory_space<vmem>> -> memref<3x213504xf32, #tpu.memory_space<vmem>>
      %dma_start3A_99 = arith.constant 0 : i32
      %dma_start3A_100 = arith.constant 786432 : i32
      %dma_start3A_101 = tpu.memref_slice %arg3[%dma_start3A_99, %dma_start3A_100] : memref<3x1000000xf32, #tpu.memory_space<any>> -> memref<3x213504xf32, #tpu.memory_space<any>>
      tpu.enqueue_dma source(%dma_start3A_101 : memref<3x213504xf32, #tpu.memory_space<any>>) target(%dma_start3A_98 : memref<3x213504xf32, #tpu.memory_space<vmem>>) target_semaphore(%arg10 : memref<!tpu.dma_semaphore, #tpu.memory_space<semaphore_mem>>)
    } else {
    }
    %eq3A_4 = arith.constant 0 : i32
    %eq3A_5 = arith.cmpi eq, %arg0, %eq3A_4 : i32
    %eq3A_6 = arith.constant 0 : i32
    %eq3A_7 = arith.cmpi eq, %arg1, %eq3A_6 : i32
    %and3A_8 = arith.andi %eq3A_5, %eq3A_7 : i1
    %convert_element_type3A_9 = arith.extui %and3A_8 : i1 to i32
    %cond3A_10 = arith.constant 0 : i32
    %cond3A_11 = arith.cmpi ne, %convert_element_type3A_9, %cond3A_10 : i32
    scf.if %cond3A_11 {
      %dma_wait3A = arith.constant 0 : i32
      %dma_wait3A_64 = arith.constant 0 : i32
      %dma_wait3A_65 = arith.constant 0 : i32
      %dma_wait3A_66 = tpu.memref_slice %arg6[%dma_wait3A, %dma_wait3A_64, %dma_wait3A_65] : memref<4x3x262144xf32, #tpu.memory_space<vmem>> -> memref<1x3x262144xf32, #tpu.memory_space<vmem>>
      %dma_wait3A_67 = tpu.memref_squeeze %dma_wait3A_66 : memref<1x3x262144xf32, #tpu.memory_space<vmem>> -> memref<3x262144xf32, #tpu.memory_space<vmem>>
      %dma_wait3A_68 = arith.constant 0 : i32
      %dma_wait3A_69 = arith.constant 0 : i32
      %dma_wait3A_70 = tpu.memref_slice %arg3[%dma_wait3A_68, %dma_wait3A_69] : memref<3x1000000xf32, #tpu.memory_space<any>> -> memref<3x262144xf32, #tpu.memory_space<any>>
      tpu.wait_dma2 semaphore(%arg10 : memref<!tpu.dma_semaphore, #tpu.memory_space<semaphore_mem>>) src(%dma_wait3A_70 : memref<3x262144xf32, #tpu.memory_space<any>>) dst(%dma_wait3A_67 : memref<3x262144xf32, #tpu.memory_space<vmem>>)
    } else {
    }
    %eq3A_12 = arith.constant 0 : i32
    %eq3A_13 = arith.cmpi eq, %arg0, %eq3A_12 : i32
    %eq3A_14 = arith.constant 1 : i32
    %eq3A_15 = arith.cmpi eq, %arg1, %eq3A_14 : i32
    %and3A_16 = arith.andi %eq3A_13, %eq3A_15 : i1
    %convert_element_type3A_17 = arith.extui %and3A_16 : i1 to i32
    %cond3A_18 = arith.constant 0 : i32
    %cond3A_19 = arith.cmpi ne, %convert_element_type3A_17, %cond3A_18 : i32
    scf.if %cond3A_19 {
      %dma_wait3A = arith.constant 1 : i32
      %dma_wait3A_64 = arith.constant 0 : i32
      %dma_wait3A_65 = arith.constant 0 : i32
      %dma_wait3A_66 = tpu.memref_slice %arg6[%dma_wait3A, %dma_wait3A_64, %dma_wait3A_65] : memref<4x3x262144xf32, #tpu.memory_space<vmem>> -> memref<1x3x262144xf32, #tpu.memory_space<vmem>>
      %dma_wait3A_67 = tpu.memref_squeeze %dma_wait3A_66 : memref<1x3x262144xf32, #tpu.memory_space<vmem>> -> memref<3x262144xf32, #tpu.memory_space<vmem>>
      %dma_wait3A_68 = arith.constant 0 : i32
      %dma_wait3A_69 = arith.constant 262144 : i32
      %dma_wait3A_70 = tpu.memref_slice %arg3[%dma_wait3A_68, %dma_wait3A_69] : memref<3x1000000xf32, #tpu.memory_space<any>> -> memref<3x262144xf32, #tpu.memory_space<any>>
      tpu.wait_dma2 semaphore(%arg10 : memref<!tpu.dma_semaphore, #tpu.memory_space<semaphore_mem>>) src(%dma_wait3A_70 : memref<3x262144xf32, #tpu.memory_space<any>>) dst(%dma_wait3A_67 : memref<3x262144xf32, #tpu.memory_space<vmem>>)
    } else {
    }
    %eq3A_20 = arith.constant 0 : i32
    %eq3A_21 = arith.cmpi eq, %arg0, %eq3A_20 : i32
    %eq3A_22 = arith.constant 2 : i32
    %eq3A_23 = arith.cmpi eq, %arg1, %eq3A_22 : i32
    %and3A_24 = arith.andi %eq3A_21, %eq3A_23 : i1
    %convert_element_type3A_25 = arith.extui %and3A_24 : i1 to i32
    %cond3A_26 = arith.constant 0 : i32
    %cond3A_27 = arith.cmpi ne, %convert_element_type3A_25, %cond3A_26 : i32
    scf.if %cond3A_27 {
      %dma_wait3A = arith.constant 2 : i32
      %dma_wait3A_64 = arith.constant 0 : i32
      %dma_wait3A_65 = arith.constant 0 : i32
      %dma_wait3A_66 = tpu.memref_slice %arg6[%dma_wait3A, %dma_wait3A_64, %dma_wait3A_65] : memref<4x3x262144xf32, #tpu.memory_space<vmem>> -> memref<1x3x262144xf32, #tpu.memory_space<vmem>>
      %dma_wait3A_67 = tpu.memref_squeeze %dma_wait3A_66 : memref<1x3x262144xf32, #tpu.memory_space<vmem>> -> memref<3x262144xf32, #tpu.memory_space<vmem>>
      %dma_wait3A_68 = arith.constant 0 : i32
      %dma_wait3A_69 = arith.constant 524288 : i32
      %dma_wait3A_70 = tpu.memref_slice %arg3[%dma_wait3A_68, %dma_wait3A_69] : memref<3x1000000xf32, #tpu.memory_space<any>> -> memref<3x262144xf32, #tpu.memory_space<any>>
      tpu.wait_dma2 semaphore(%arg10 : memref<!tpu.dma_semaphore, #tpu.memory_space<semaphore_mem>>) src(%dma_wait3A_70 : memref<3x262144xf32, #tpu.memory_space<any>>) dst(%dma_wait3A_67 : memref<3x262144xf32, #tpu.memory_space<vmem>>)
    } else {
    }
    %eq3A_28 = arith.constant 0 : i32
    %eq3A_29 = arith.cmpi eq, %arg0, %eq3A_28 : i32
    %eq3A_30 = arith.constant 3 : i32
    %eq3A_31 = arith.cmpi eq, %arg1, %eq3A_30 : i32
    %and3A_32 = arith.andi %eq3A_29, %eq3A_31 : i1
    %convert_element_type3A_33 = arith.extui %and3A_32 : i1 to i32
    %cond3A_34 = arith.constant 0 : i32
    %cond3A_35 = arith.cmpi ne, %convert_element_type3A_33, %cond3A_34 : i32
    scf.if %cond3A_35 {
      %dma_wait3A = arith.constant 3 : i32
      %dma_wait3A_64 = arith.constant 0 : i32
      %dma_wait3A_65 = arith.constant 0 : i32
      %dma_wait3A_66 = tpu.memref_slice %arg6[%dma_wait3A, %dma_wait3A_64, %dma_wait3A_65] : memref<4x3x262144xf32, #tpu.memory_space<vmem>> -> memref<1x3x213504xf32, #tpu.memory_space<vmem>>
      %dma_wait3A_67 = tpu.memref_squeeze %dma_wait3A_66 : memref<1x3x213504xf32, #tpu.memory_space<vmem>> -> memref<3x213504xf32, #tpu.memory_space<vmem>>
      %dma_wait3A_68 = arith.constant 0 : i32
      %dma_wait3A_69 = arith.constant 786432 : i32
      %dma_wait3A_70 = tpu.memref_slice %arg3[%dma_wait3A_68, %dma_wait3A_69] : memref<3x1000000xf32, #tpu.memory_space<any>> -> memref<3x213504xf32, #tpu.memory_space<any>>
      tpu.wait_dma2 semaphore(%arg10 : memref<!tpu.dma_semaphore, #tpu.memory_space<semaphore_mem>>) src(%dma_wait3A_70 : memref<3x213504xf32, #tpu.memory_space<any>>) dst(%dma_wait3A_67 : memref<3x213504xf32, #tpu.memory_space<vmem>>)
    } else {
    }
    %eq3A_36 = arith.constant 0 : i32
    %eq3A_37 = arith.cmpi eq, %arg0, %eq3A_36 : i32
    %lt3A = arith.constant 3 : i32
    %lt3A_38 = arith.cmpi slt, %arg1, %lt3A : i32
    %and3A_39 = arith.andi %eq3A_37, %lt3A_38 : i1
    %convert_element_type3A_40 = arith.extui %and3A_39 : i1 to i32
    %cond3A_41 = arith.constant 0 : i32
    %cond3A_42 = arith.cmpi ne, %convert_element_type3A_40, %cond3A_41 : i32
    scf.if %cond3A_42 {
      %get3A = arith.constant 0 : index
      %get3A_64 = vector.load %arg2[%get3A] : memref<262144xf32, #tpu.memory_space<vmem>>, vector<262144xf32>
      %reshape3A = vector.shape_cast %get3A_64 : vector<262144xf32> to vector<1x262144xf32>
      %get3A_65 = arith.index_cast %arg1 : i32 to index
      %get3A_66 = arith.constant 0 : index
      %get3A_67 = arith.constant 0 : index
      %get3A_68 = vector.load %arg6[%get3A_65, %get3A_66, %get3A_67] : memref<4x3x262144xf32, #tpu.memory_space<vmem>>, vector<1x3x262144xf32>
      %get3A_69 = vector.shape_cast %get3A_68 : vector<1x3x262144xf32> to vector<3x262144xf32>
      %mul3A = vector.broadcast %reshape3A : vector<1x262144xf32> to vector<3x262144xf32>
      %mul3A_70 = arith.mulf %mul3A, %get3A_69 : vector<3x262144xf32>
      %get3A_71 = arith.constant 0 : index
      %get3A_72 = arith.constant 0 : index
      %get3A_73 = vector.load %arg7[%get3A_71, %get3A_72] : memref<4x128xf32, #tpu.memory_space<vmem>>, vector<3x1xf32>
      %reduce_sum3A = arith.constant dense<0.000000e+00> : vector<3xf32>
      %reduce_sum3A_74 = vector.multi_reduction <add>, %mul3A_70, %reduce_sum3A [1] : vector<3x262144xf32> to vector<3xf32>
      %broadcast_in_dim3A = vector.shape_cast %reduce_sum3A_74 : vector<3xf32> to vector<3x1xf32>
      %add3A = arith.addf %get3A_73, %broadcast_in_dim3A : vector<3x1xf32>
      %swap3A = arith.constant 0 : index
      %swap3A_75 = arith.constant 0 : index
      %swap3A_76 = vector.load %arg7[%swap3A, %swap3A_75] : memref<4x128xf32, #tpu.memory_space<vmem>>, vector<3x1xf32>
      tpu.vector_store %arg7[%swap3A, %swap3A_75], %add3A {strides = array<i32>} : memref<4x128xf32, #tpu.memory_space<vmem>>, vector<3x1xf32>,
      %get3A_77 = arith.constant 0 : index
      %get3A_78 = vector.load %arg8[%get3A_77] : memref<262144xf32, #tpu.memory_space<vmem>>, vector<262144xf32>
      %add3A_79 = arith.addf %get3A_78, %get3A_64 : vector<262144xf32>
      %swap3A_80 = arith.constant 0 : index
      %swap3A_81 = vector.load %arg8[%swap3A_80] : memref<262144xf32, #tpu.memory_space<vmem>>, vector<262144xf32>
      tpu.vector_store %arg8[%swap3A_80], %add3A_79 {strides = array<i32>} : memref<262144xf32, #tpu.memory_space<vmem>>, vector<262144xf32>,
    } else {
    }
    %eq3A_43 = arith.constant 0 : i32
    %eq3A_44 = arith.cmpi eq, %arg0, %eq3A_43 : i32
    %eq3A_45 = arith.constant 3 : i32
    %eq3A_46 = arith.cmpi eq, %arg1, %eq3A_45 : i32
    %and3A_47 = arith.andi %eq3A_44, %eq3A_46 : i1
    %convert_element_type3A_48 = arith.extui %and3A_47 : i1 to i32
    %cond3A_49 = arith.constant 0 : i32
    %cond3A_50 = arith.cmpi ne, %convert_element_type3A_48, %cond3A_49 : i32
    scf.if %cond3A_50 {
      %get3A = arith.constant 0 : index
      %get3A_64 = arith.constant 0 : index
      %get3A_65 = vector.load %arg4[%get3A, %get3A_64] : memref<3x128xf32, #tpu.memory_space<vmem>>, vector<3x128xf32>
      %swap3A = arith.constant 3 : index
      %swap3A_66 = arith.constant 0 : index
      %swap3A_67 = arith.constant 213504 : index
      %swap3A_68 = vector.load %arg6[%swap3A, %swap3A_66, %swap3A_67] : memref<4x3x262144xf32, #tpu.memory_space<vmem>>, vector<1x3x128xf32>
      %swap3A_69 = vector.shape_cast %swap3A_68 : vector<1x3x128xf32> to vector<3x128xf32>
      %swap3A_70 = vector.shape_cast %get3A_65 : vector<3x128xf32> to vector<1x3x128xf32>
      tpu.vector_store %arg6[%swap3A, %swap3A_66, %swap3A_67], %swap3A_70 {strides = array<i32>} : memref<4x3x262144xf32, #tpu.memory_space<vmem>>, vector<1x3x128xf32>,
      %get3A_71 = arith.constant 0 : index
      %get3A_72 = vector.load %arg2[%get3A_71] : memref<262144xf32, #tpu.memory_space<vmem>>, vector<262144xf32>
      %reshape3A = vector.shape_cast %get3A_72 : vector<262144xf32> to vector<1x262144xf32>
      %get3A_73 = arith.index_cast %arg1 : i32 to index
      %get3A_74 = arith.constant 0 : index
      %get3A_75 = arith.constant 0 : index
      %get3A_76 = vector.load %arg6[%get3A_73, %get3A_74, %get3A_75] : memref<4x3x262144xf32, #tpu.memory_space<vmem>>, vector<1x3x262144xf32>
      %get3A_77 = vector.shape_cast %get3A_76 : vector<1x3x262144xf32> to vector<3x262144xf32>
      %mul3A = vector.broadcast %reshape3A : vector<1x262144xf32> to vector<3x262144xf32>
      %mul3A_78 = arith.mulf %mul3A, %get3A_77 : vector<3x262144xf32>
      %iota3A = tpu.iota {dimensions = array<i32: 1>} : vector<3x262144xi32>
      %lt3A_79 = arith.constant 213568 : i32
      %lt3A_80 = vector.broadcast %lt3A_79 : i32 to vector<3x262144xi32>
      %lt3A_81 = arith.cmpi slt, %iota3A, %lt3A_80 : vector<3x262144xi32>
      %jit3A = arith.constant 0.000000e+00 : f32
      %broadcast_in_dim3A = vector.broadcast %jit3A : f32 to vector<3x262144xf32>
      %select_n3A = arith.select %lt3A_81, %mul3A_78, %broadcast_in_dim3A : vector<3x262144xi1>, vector<3x262144xf32>
      %get3A_82 = arith.constant 0 : index
      %get3A_83 = arith.constant 0 : index
      %get3A_84 = vector.load %arg7[%get3A_82, %get3A_83] : memref<4x128xf32, #tpu.memory_space<vmem>>, vector<3x1xf32>
      %reduce_sum3A = arith.constant dense<0.000000e+00> : vector<3xf32>
      %reduce_sum3A_85 = vector.multi_reduction <add>, %select_n3A, %reduce_sum3A [1] : vector<3x262144xf32> to vector<3xf32>
      %broadcast_in_dim3A_86 = vector.shape_cast %reduce_sum3A_85 : vector<3xf32> to vector<3x1xf32>
      %add3A = arith.addf %get3A_84, %broadcast_in_dim3A_86 : vector<3x1xf32>
      %swap3A_87 = arith.constant 0 : index
      %swap3A_88 = arith.constant 0 : index
      %swap3A_89 = vector.load %arg7[%swap3A_87, %swap3A_88] : memref<4x128xf32, #tpu.memory_space<vmem>>, vector<3x1xf32>
      tpu.vector_store %arg7[%swap3A_87, %swap3A_88], %add3A {strides = array<i32>} : memref<4x128xf32, #tpu.memory_space<vmem>>, vector<3x1xf32>,
      %get3A_90 = arith.constant 0 : index
      %get3A_91 = vector.load %arg8[%get3A_90] : memref<262144xf32, #tpu.memory_space<vmem>>, vector<262144xf32>
      %add3A_92 = arith.addf %get3A_91, %get3A_72 : vector<262144xf32>
      %swap3A_93 = arith.constant 0 : index
      %swap3A_94 = vector.load %arg8[%swap3A_93] : memref<262144xf32, #tpu.memory_space<vmem>>, vector<262144xf32>
      tpu.vector_store %arg8[%swap3A_93], %add3A_92 {strides = array<i32>} : memref<262144xf32, #tpu.memory_space<vmem>>, vector<262144xf32>,
    } else {
    }
    %eq3A_51 = arith.constant 1 : i32
    %eq3A_52 = arith.cmpi eq, %arg0, %eq3A_51 : i32
    %eq3A_53 = arith.constant 0 : i32
    %eq3A_54 = arith.cmpi eq, %arg1, %eq3A_53 : i32
    %and3A_55 = arith.andi %eq3A_52, %eq3A_54 : i1
    %convert_element_type3A_56 = arith.extui %and3A_55 : i1 to i32
    %cond3A_57 = arith.constant 0 : i32
    %cond3A_58 = arith.cmpi ne, %convert_element_type3A_56, %cond3A_57 : i32
    scf.if %cond3A_58 {
      %get3A = arith.constant 0 : index
      %get3A_64 = vector.load %arg8[%get3A] : memref<262144xf32, #tpu.memory_space<vmem>>, vector<262144xf32>
      %reduce_sum3A = vector.shape_cast %get3A_64 : vector<262144xf32> to vector<1x262144xf32>
      %reduce_sum3A_65 = arith.constant dense<0.000000e+00> : vector<1xf32>
      %reduce_sum3A_66 = vector.multi_reduction <add>, %reduce_sum3A, %reduce_sum3A_65 [1] : vector<1x262144xf32> to vector<1xf32>
      %reduce_sum3A_67 = vector.shape_cast %reduce_sum3A_66 : vector<1xf32> to vector<1x1xf32>
      %reduce_sum3A_68 = vector.extract %reduce_sum3A_67[0, 0] : f32 from vector<1x1xf32>
      %get3A_69 = arith.constant 0 : index
      %get3A_70 = arith.constant 0 : index
      %get3A_71 = vector.load %arg7[%get3A_69, %get3A_70] : memref<4x128xf32, #tpu.memory_space<vmem>>, vector<3x1xf32>
      %div3A = vector.broadcast %reduce_sum3A_68 : f32 to vector<3x1xf32>
      %div3A_72 = arith.divf %get3A_71, %div3A : vector<3x1xf32>
      %broadcast_in_dim3A = vector.shape_cast %div3A_72 : vector<3x1xf32> to vector<3x1xf32>
      %broadcast_in_dim3A_73 = vector.broadcast %broadcast_in_dim3A : vector<3x1xf32> to vector<3x128xf32>
      %swap3A = arith.constant 0 : index
      %swap3A_74 = arith.constant 0 : index
      %swap3A_75 = vector.load %arg9[%swap3A, %swap3A_74] : memref<4x128xf32, #tpu.memory_space<vmem>>, vector<3x128xf32>
      tpu.vector_store %arg9[%swap3A, %swap3A_74], %broadcast_in_dim3A_73 {strides = array<i32>} : memref<4x128xf32, #tpu.memory_space<vmem>>, vector<3x128xf32>,
    } else {
    }
    %eq3A_59 = arith.constant 1 : i32
    %eq3A_60 = arith.cmpi eq, %arg0, %eq3A_59 : i32
    %convert_element_type3A_61 = arith.extui %eq3A_60 : i1 to i32
    %cond3A_62 = arith.constant 0 : i32
    %cond3A_63 = arith.cmpi ne, %convert_element_type3A_61, %cond3A_62 : i32
    scf.if %cond3A_63 {
      %get3A = arith.index_cast %arg1 : i32 to index
      %get3A_64 = arith.constant 0 : index
      %get3A_65 = arith.constant 0 : index
      %get3A_66 = vector.load %arg6[%get3A, %get3A_64, %get3A_65] : memref<4x3x262144xf32, #tpu.memory_space<vmem>>, vector<1x3x262144xf32>
      %get3A_67 = vector.shape_cast %get3A_66 : vector<1x3x262144xf32> to vector<3x262144xf32>
      %get3A_68 = arith.constant 0 : index
      %get3A_69 = arith.constant 0 : index
      %get3A_70 = vector.load %arg9[%get3A_68, %get3A_69] : memref<4x128xf32, #tpu.memory_space<vmem>>, vector<3x1xf32>
      %sub3A = vector.broadcast %get3A_70 : vector<3x1xf32> to vector<3x262144xf32>
      %sub3A_71 = arith.subf %get3A_67, %sub3A : vector<3x262144xf32>
      %swap3A = arith.constant 0 : index
      %swap3A_72 = arith.constant 0 : index
      %swap3A_73 = vector.load %arg5[%swap3A, %swap3A_72] : memref<3x262144xf32, #tpu.memory_space<vmem>>, vector<3x262144xf32>
      tpu.vector_store %arg5[%swap3A, %swap3A_72], %sub3A_71 {strides = array<i32>} : memref<3x262144xf32, #tpu.memory_space<vmem>>, vector<3x262144xf32>,
    } else {
    }
    return
  }
  func.func @transform_0(%arg0: i32, %arg1: i32) -> i32 {
    %sub3A = arith.constant 1 : i32
    %sub3A_0 = arith.subi %sub3A, %arg0 : i32
    %mul3A = arith.muli %arg1, %sub3A_0 : i32
    %c0_i32 = arith.constant 0 : i32
    return %mul3A : i32
  }
  func.func @transform_2(%arg0: i32, %arg1: i32) -> (i32, i32) {
    %c0_i32 = arith.constant 0 : i32
    %c7812_i32 = arith.constant 7812 : i32
    %c0_i32_0 = arith.constant 0 : i32
    return %c0_i32, %c7812_i32 : i32, i32
  }
  func.func @transform_3(%arg0: i32, %arg1: i32) -> (i32, i32) {
    %mul3A = arith.muli %arg1, %arg0 : i32
    %c0_i32 = arith.constant 0 : i32
    %c0_i32_0 = arith.constant 0 : i32
    return %c0_i32, %mul3A : i32, i32
  }
}

</mosaic_0001>

<sc_bundles>
// kernel: kernel.4.cloned.1.call-start
scs
__scs_entry_jumppad:
0x0: {  	(pc) =	sbr.rel $0x88, $3  }
0x1: {  	(tag) =	ssettag $0x0;
	lr =	simm.s32 $0x1  }
0x2: {  	[smem:$0x3F9E] =	sst lr;
	_ =	strace $0xD0000000  }
0x3: {  	_ = 	snop  }
0x4: {  	_ = 	snop  }
0x5: {  	_ = 	snop  }
0x6: {  	_ = 	snop  }
0x7: {  	_ = 	snop  }
__scs_overlays_trampoline_lowered:
0x8: {  	[smem:$0x3FAD] =	sst s0  }
0x9: {  	[smem:$0x3FAE] =	sst s1  }
0xa: {  	[smem:$0x3FAF] =	sst s2  }
0xb: {  	[smem:$0x3FB0] =	sst s3  }
0xc: {  	[smem:$0x3FB1] =	sst s4  }
0xd: {  	[smem:$0x3FB2] =	sst s5  }
0xe: {  	[smem:$0x3FB3] =	sst s6  }
0xf: {  	[smem:$0x3FB4] =	sst s7  }
0x10: {  	[smem:$0x3FB5] =	sst s8  }
0x11: {  	[smem:$0x3FB6] =	sst s9;
	s0 =	simm.s32 @!p0 $0x0  }
0x12: {  	s1 =	sld [smem:$0x3F9C];
	s0 =	simm.s32 @p0 $0x1  }
0x13: {  	[smem:$0x3FB7] =	sst s0;
	s0 =	simm.s32 @!p1 $0x0  }
0x14: {  	s2 =	sld [smem:$0x3F9B];
	s0 =	simm.s32 @p1 $0x1  }
0x15: {  	[smem:$0x3FB8] =	sst s0;
	s0 =	simm.s32 @!p2 $0x0  }
0x16: {  	s3 =	sld [smem:$0x3FDB];
	s0 =	simm.s32 @p2 $0x1  }
0x17: {  	s4 =	simm.s32 $0x1BF5;
	[smem:$0x3FBA] =	sst s0  }
0x18: {  	s0 =	sld [smem:$0x3F9D];
	_ =	swait.ge [sflag:s4], $0x0  }
0x19: {  	s7 =	sld [smem:$0x3F9E]  }
0x1a: {  	s8 =	sadd.s32 $0xFFFFE003, lr  }
0x1b: {  	s9 =	sadd.s32 $0xFFFFFEF7, lr;
	s5 =	simm.s32 $0xFFFFFFFF;
	p2 =	slt.u32 s8, $0xFFFFF086  }
0x1c: {  	p1 =	slt.u32 s9, $0xF7A;
	s5 =	simm.s32 @!p2 $0x0  }
0x1d: {  	s5 =	simm.s32 @p1 $0x1;
	p0 =	seq.s32 s7, s2  }
0x1e: {  	s7 =	smul.u32 @!p0 $0xF7A, s2;
	p2 =	seq.s32 @!p0 s5, $0x0  }
0x1f: {  	s9 =	smul.u32 $0xF7A, s1;
	s8 =	simm.s32 @!p0 $0x1BF5;
	p2 =	por !p2, p0  }
0x20: {  	[sflag:s8] =	ssyncset.s32 @!p0 $0xFFFFF086;
	s6 =	sadd.s32 @!p0 s3, s7;
	s7 =	simm.s32 @!p0 $0x108  }
0x21: {  	s3 =	sadd.s32 s3, s9;
	s6 =	sadd.s32 @!p0 $0x88, s6;
	s7 =	simm.s32 @p2 $0x1082  }
0x22: {  	[simem:s7], [sflag:s8] =	dma.local @!p0 [hbm:s6], $0xF7A  }
0x23: {  	s9 =	sor.u32 $0xD0000000, s2;
	s6 =	simm.s32 $0x108;
	_ =	swait.ge @!p0 [sflag:s8], $0x0  }
0x24: {  	s3 =	sadd.s32 $0x88, s3;
	s6 =	simm.s32 @!p1 $0x1082;
	[sflag:s4] =	ssyncset.s32 $0xFFFFF086  }
0x25: {  	[simem:s6], [sflag:s4] =	dma.local [hbm:s3], $0xF7A  }
0x26: {  	[smem:$0x3F9E] =	sst s1;
	(tag) =	ssettag s2;
	_ =	strace s9  }
0x27: {  	s1 =	sld [smem:$0x3FAE]  }
0x28: {  	s2 =	sld [smem:$0x3FAF]  }
0x29: {  	s4 =	sld [smem:$0x3FB1]  }
0x2a: {  	p0 =	seq.s32 s5, $0x0;
	s5 =	sld [smem:$0x3FB2]  }
0x2b: {  	s6 =	sld [smem:$0x3FB3]  }
0x2c: {  	s7 =	sld [smem:$0x3FB4]  }
0x2d: {  	s3 =	simm.s32 $0x108;
	s8 =	sld [smem:$0x3FB5]  }
0x2e: {  	s3 =	simm.s32 @!p0 $0x1082;
	s9 =	sld [smem:$0x3FB6]  }
0x2f: {  	lr =	sadd.s32 s0, s3;
	s0 =	sld [smem:$0x3FAD]  }
0x30: {  	s3 =	sld [smem:$0x3FB0]  }
0x31: {  	[smem:$0x3FB9] =	sst s10  }
0x32: {  	s10 =	sld [smem:$0x3FB7];
	_ =	sdelay $0x3  }
0x33: {  	p0 =	seq.s32 s10, $0x1;
	s10 =	sld [smem:$0x3FB9];
	_ =	sdelay $0x3  }
0x34: {  	[smem:$0x3FB9] =	sst s10  }
0x35: {  	s10 =	sld [smem:$0x3FB8];
	_ =	sdelay $0x3  }
0x36: {  	p1 =	seq.s32 s10, $0x1;
	s10 =	sld [smem:$0x3FB9];
	_ =	sdelay $0x3  }
0x37: {  	[smem:$0x3FB9] =	sst s10  }
0x38: {  	s10 =	sld [smem:$0x3FBA]  }
0x39: {  	_ = 	snop;
	(pc) =	sbr.ind lr, $3  }
0x3a: {  	_ = 	snop  }
0x3b: {  	_ = 	snop  }
0x3c: {  	p2 =	seq.s32 s10, $0x1;
	s10 =	sld [smem:$0x3FB9]  }
0x3d: {  	_ =	shalt  }
0x3e: {  	_ =	shalt  }
0x3f: {  	_ =	shalt  }
0x40: {  	_ =	shalt  }
0x41: {  	_ =	shalt  }
0x42: {  	_ =	shalt  }
0x43: {  	_ =	shalt  }
0x44: {  	_ =	shalt  }
0x45: {  	_ =	shalt  }
0x46: {  	_ =	shalt  }
0x47: {  	_ =	shalt  }
0x48: {  	_ =	shalt  }
0x49: {  	_ =	shalt  }
0x4a: {  	_ =	shalt  }
0x4b: {  	_ =	shalt  }
0x4c: {  	_ =	shalt  }
0x4d: {  	_ =	shalt  }
0x4e: {  	_ =	shalt  }
0x4f: {  	_ =	shalt  }
0x50: {  	_ =	shalt  }
0x51: {  	_ =	shalt  }
0x52: {  	_ =	shalt  }
0x53: {  	_ =	shalt  }
0x54: {  	_ =	shalt  }
0x55: {  	_ =	shalt  }
0x56: {  	_ =	shalt  }
0x57: {  	_ =	shalt  }
0x58: {  	_ =	shalt  }
0x59: {  	_ =	shalt  }
0x5a: {  	_ =	shalt  }
0x5b: {  	_ =	shalt  }
0x5c: {  	_ =	shalt  }
0x5d: {  	_ =	shalt  }
0x5e: {  	_ =	shalt  }
0x5f: {  	_ =	shalt  }
0x60: {  	_ =	shalt  }
0x61: {  	_ =	shalt  }
0x62: {  	_ =	shalt  }
0x63: {  	_ =	shalt  }
0x64: {  	_ =	shalt  }
0x65: {  	_ =	shalt  }
0x66: {  	_ =	shalt  }
0x67: {  	_ =	shalt  }
0x68: {  	_ =	shalt  }
0x69: {  	_ =	shalt  }
0x6a: {  	_ =	shalt  }
0x6b: {  	_ =	shalt  }
0x6c: {  	_ =	shalt  }
0x6d: {  	_ =	shalt  }
0x6e: {  	_ =	shalt  }
0x6f: {  	_ =	shalt  }
0x70: {  	_ =	shalt  }
0x71: {  	_ =	shalt  }
0x72: {  	_ =	shalt  }
0x73: {  	_ =	shalt  }
0x74: {  	_ =	shalt  }
0x75: {  	_ =	shalt  }
0x76: {  	_ =	shalt  }
0x77: {  	_ =	shalt  }
0x78: {  	_ =	shalt  }
0x79: {  	_ =	shalt  }
0x7a: {  	_ =	shalt  }
0x7b: {  	_ =	shalt  }
0x7c: {  	_ =	shalt  }
0x7d: {  	_ =	shalt  }
0x7e: {  	_ =	shalt  }
0x7f: {  	_ =	shalt  }
0x80: {  	_ =	shalt  }
0x81: {  	_ =	shalt  }
0x82: {  	_ =	shalt  }
0x83: {  	_ =	shalt  }
0x84: {  	_ =	shalt  }
0x85: {  	_ =	shalt  }
0x86: {  	_ =	shalt  }
0x87: {  	_ =	shalt  }
.Lfunc_end0:
.L_simem_size_0:
called_computation_lowered:
.L_overlay_start_0:
0x88: {  	s2 =	sld [smem:$0x3FD9]  }
0x89: {  	s3 =	sld [smem:$0x3FFE];
	_ =	sdelay $0x1  }
0x8a: {  	s1 =	srdreg.scid  }
0x8b: {  	s0 =	sand.u32 $0x1, s1  }
0x8c: {  	s18 =	sshll.u32 s0, $0xA;
	s2 =	sadd.s32 s3, s2  }
0x8d: {  	s2 =	sadd.s32 s2, s18  }
0x8e: {  	[smem:$0x3FC5] =	sst s2  }
0x8f: {  	_ = 	snop  }
0x90: {  	s2 =	sld [smem:$0x3FC9]  }
0x91: {  	s19 =	sld [smem:$0x3FC7]  }
0x92: {  	s4 =	sld [smem:$0x3FD0];
	(tm) =	ssettm $0x1  }
0x93: {  	s5 =	sld [smem:$0x3FFB];
	_ =	sdelay $0x3  }
0x94: {  	_ =	strace s5  }
0x95: {  	s5 =	sld [smem:$0x3FFC];
	_ =	sdelay $0x3  }
0x96: {  	_ =	strace s5  }
0x97: {  	s5 =	sld [smem:$0x3FFD];
	_ =	sdelay $0x3  }
0x98: {  	_ =	strace s5  }
0x99: {  	_ =	strace $0x8FFFFFFF  }
0x9a: {  	s20 =	sld [smem:$0x3FDB];
	_ =	sdelay $0x1  }
0x9b: {  	s6 =	simm.s32 $_scs_section_size  }
0x9c: {  	s7 =	simm.s32 $_size__tile_overlayer_lowered;
	s8 =	simm.s32 $_tile_overlayer_lowered  }
0x9d: {  	s23 =	simm.s32 $0x1BFF;
	s22 =	sshll.u32 s8, $0x1;
	s5 =	sadd.s32 s6, s20  }
0x9e: {  	s9 =	simm.s32 $0x0;
	s21 =	sshll.u32 s7, $0x1;
	s7 =	sadd.s32 s22, s5  }
0x9f: {  	[timem:s9], [sflag:s23] =	dma.local [hbm:s7], s21  }
0xa0: {  	_ =	swait.ge [sflag:s23], s21  }
0xa1: {  	s6 =	ssub.s32 $0x0, s21;
	[sflag:s23] =	ssyncset.done $0x0  }
0xa2: {  	[sflag:s23] =	ssyncadd.s32 s6;
	_ =	sdelay $0x1  }
0xa3: {  	s24 =	simm.s32 $0x1B8B  }
0xa4: {  	_ =	swait.ge [sflag:s24], $0x1  }
0xa5: {  	[sflag:s24] =	ssyncset.done $0x0  }
0xa6: {  	s25 =	simm.s32 $0x1B8E;
	[sflag:s24] =	ssyncadd.s32 $0xFFFFFFFF  }
0xa7: {  	s26 =	simm.s32 $execute0_lowered;
	[smem:$0x3FD2] =	sst s25  }
0xa8: {  	s6 =	sshll.u32 s26, $0x1;
	_ =	strace $0x80000046;
	[dreg:$0x1] =	wrdreg $0xFFFFFFFF  }
0xa9: {  	s28 =	simm.s32 $_size_execute0_lowered;
	s5 =	sadd.s32 s5, s6;
	[dreg:$0x0] =	wrdreg $0x0  }
0xaa: {  	s6 =	sshll.u32 s28, $0x1;
	[dreg:$0x2] =	wrdreg s5  }
0xab: {  	[dreg:$0x3] =	wrdreg s6  }
0xac: {  	[dreg:$0x4] =	wrdreg $0xC0  }
0xad: {  	_ =	task [dreg:s9], $0x5FFFF  }
0xae: {  	[dreg:$0x1] =	wrdreg $0xFFFFFFFF  }
0xaf: {  	[dreg:$0x0] =	wrdreg $0x60  }
0xb0: {  	[dreg:$0x2] =	wrdreg s2  }
0xb1: {  	[dreg:$0x3] =	wrdreg s19  }
0xb2: {  	[dreg:$0x4] =	wrdreg s4  }
0xb3: {  	[dreg:$0x5] =	wrdreg $0x9  }
0xb4: {  	_ =	task.clear_ibuf [dreg:s9], $0x6FFFF;
	_ =	strace $0x90000046  }
0xb5: {  	s29 =	simm.s32 $0x9;
	_ =	strace $0x80000048  }
0xb6: {  	_ =	swait.ge [sflag:s29], $0x1  }
0xb7: {  	[sflag:s29] =	ssyncadd.s32 $0xFFFFFFFF  }
0xb8: {  	_ =	strace $0x90000048  }
0xb9: {  	_ =	sfence  }
0xba: {  	s30 =	sld [smem:$0x0];
	_ =	sdelay $0x2  }
0xbb: {  	s31 =	sshll.u32 s1, $0xD;
	s1 =	sshrl.u32 s1, $0x2  }
0xbc: {  	s3 =	sand.u32 $0x4000, s31;
	s1 =	sadd.s32 s1, s30  }
0xbd: {  	s0 =	sor.u32 s3, s0;
	s1 =	sshll.u32 s1, $0x11  }
0xbe: {  	s0 =	sor.u32 s1, s0  }
0xbf: {  	s0 =	sadd.s32 $0x8F2B, s0  }
0xc0: {  	[sflag:s0] =	ssyncadd.remote.s32 $0x1  }
0xc1: {  	_ =	sfence.sel $0xFFFF  }
0xc2: {  	[dreg:$0x0] =	wrdreg $0xFFFFFFFF;
	(pc) =	sbr.abs _section_cstart, $3  }
0xc3: {  	[dreg:$0x1] =	wrdreg $0xFFFFFFFF  }
0xc4: {  	_ =	task.clear_ibuf [dreg:s9], $0x2FFFF;
	_ =	strace $0x9FFFFFFF  }
0xc5: {  	(tm) =	ssettm $0x7FFFFFFF  }
tec
execute0_lowered:
.L_overlay_start_1:
0x0: {  	(tag) =	ssettag $0x1  }
0x1: {  	s7 =	rddreg [dreg:$0x0]  }
0x2: {  	s1 =	srdreg.scid;
	s2 =	rddreg [dreg:$0x1]  }
0x3: {  	s0 =	stileid.u32;
	s12 =	rddreg [dreg:$0x2];
	s3 =	simm.s32 $0x0  }
0x4: {  	s17 =	simm.s32 $0x3F80;
	s18 =	simm.s32 $0xFC80;
	s19 =	simm.s32 $0x1  }
0x5: {  	s20 =	simm.s32 $0x7E80;
	s21 =	simm.s32 $0x9E00;
	s22 =	simm.s32 $0xBD80  }
0x6: {  	s23 =	simm.s32 $0xDD00;
	s4 =	sand.u32 $0x1, s1;
	s29 =	sshll.u32 s0, $0x1  }
0x7: {  	s24 =	simm.s32 $0x2;
	s1 =	rddreg [dreg:$0x3];
	s14 =	sor.u32 s4, s29  }
0x8: {  	s25 =	simm.s32 $0x0;
	[smem:$0x7FF] =	sst s3;
	s5 =	smul.u32 $0x1F40, s14  }
0x9: {  	s4 =	ssub.s32 $0x2, s4;
	_ =	strace $0x80000047;
	s9 =	smul.u32 $0x3E8, s14  }
0xa: {  	s6 =	sshrl.u32 s4, $0x1;
	s10 =	smul.u32 $0x5F0, s14;
	p0 =	sgt.u32 s14, $0x1C  }
0xb: {  	s14 =	simm.s32 $0x3;
	s13 =	ssub.s32 s4, s6;
	s8 =	sshrl.u32 s5, $0x3  }
0xc: {  	s4 =	sadd.s32 s7, s9;
	s30 =	sshrl.u32 s10, $0x3;
	s9 =	sadd.s32 s12, s9  }
.Ltmp0:
0xd: {  	s13 =	smax.u32 s13, $0x1;
	s11 =	sadd.s32 $0x7D00, s8;
	(pc) =	sbr.rel .LBB2_1-.Ltmp0, $4  }
0xe: {  	s15 =	sadd.s32 $0xFA00, s8;
	s16 =	sadd.s32 $0x17700, s8;
	s31 =	sadd.s32 s12, s30  }
0xf: {  	s5 =	sadd.s32 s7, s11;
	s6 =	sadd.s32 s7, s15;
	s7 =	sadd.s32 s7, s16  }
0x10: {  	s8 =	sadd.s32 $0x1E848, s31;
	s10 =	sadd.s32 s12, s11;
	s11 =	sadd.s32 s12, s15  }
0x11: {  	v0 =	vimm.f32 $0.0e+00;
	s12 =	sadd.s32 s12, s16;
	s15 =	simm.s32 $0x80;
	s16 =	simm.s32 $0x2000  }
.LBB2_21:
0x12: {  	_ =	swait.ge [sflag:s24], $0x5F0  }
0x13: {  	[sflag:s24] =	ssyncset.done $0x0  }
0x14: {  	[sflag:s24] =	ssyncadd.s32 $0xFFFFFA10  }
0x15: {  	_ =	swait.ge [sflag:s24], $0x1F40  }
0x16: {  	[sflag:s24] =	ssyncset.done $0x0  }
0x17: {  	[sflag:s24] =	ssyncadd.s32 $0xFFFFE0C0  }
0x18: {  	_ =	swait.ge [sflag:s24], $0x1F40  }
0x19: {  	[sflag:s24] =	ssyncset.done $0x0  }
0x1a: {  	s25 =	sadd.s32 $0x1, s25;
	[sflag:s24] =	ssyncadd.s32 $0xFFFFE0C0  }
0x1b: {  	p1 =	sne.s32 s25, s13;
	_ =	swait.ge [sflag:s24], $0x1F40  }
.Ltmp1:
0x1c: {  	[sflag:s24] =	ssyncset.done $0x0;
	(pc) =	sbr.rel @!p1 .LBB2_22-.Ltmp1, $4  }
0x1d: {  	s26 =	simm.s32 @!p0 $0x2;
	[sflag:s24] =	ssyncadd.s32 $0xFFFFE0C0  }
0x1e: {  	_ =	swait.ge @!p0 [sflag:s26], $0x1F40  }
0x1f: {  	[sflag:s26] =	ssyncset.done @!p0 $0x0  }
0x20: {  	[sflag:s26] =	ssyncadd.s32 @!p0 $0xFFFFE0C0  }
.LBB2_1:
0x21: {  	[tilespmem:s3], [sflag:$0x3] =	stream.linear.gather [hbm4b:s2+s3], $0x77, $0x38;
	[tilespmem:$0x10280] =	vst v63  }
0x22: {  	_ =	swait.ge [sflag:s14], $0x77  }
0x23: {  	[sflag:s14] =	ssyncset.done $0x0  }
0x24: {  	[sflag:s14] =	ssyncadd.s32 $0xFFFFFF89  }
0x25: {  	[tilespmem:s15], [sflag:$0x1] =	stream.linear.gather [hbm4b:s4+s3], $0x1F40, $0x38;
	[tilespmem:$0x10280] =	vst v63  }
0x26: {  	_ = 	snop  }
0x27: {  	[tilespmem:s16], [sflag:$0x1] =	stream.linear.gather [hbm4b:s5+s3], $0x1F40, $0x38;
	[tilespmem:$0x10280] =	vst v63  }
0x28: {  	_ = 	snop  }
0x29: {  	[tilespmem:s17], [sflag:$0x1] =	stream.linear.gather [hbm4b:s6+s3], $0x1F40, $0x38;
	[tilespmem:$0x10280] =	vst v63  }
0x2a: {  	s26 =	simm.s32 @!p0 $0x0;
	s28 =	simm.s32 @!p0 $0x5F00  }
0x2b: {  	[tilespmem:s28], [sflag:$0x1] =	stream.linear.gather @!p0 [hbm4b:s7+s26], $0x1F40, $0x38;
	[tilespmem:$0x10280] =	vst v63  }
0x2c: {  	s26 =	simm.s32 $0x40;
	s28 =	simm.s32 $0x0  }
.LBB2_2:
0x2d: {  	p1 =	sne.s32 s26, $0x1780;
	[tilespmem:s28+$0xFC80] =	vst v0;
	s28 =	smov.u32 s26;
	s26 =	sadd.s32 $0x40, s26  }
.Ltmp2:
0x2e: {  	(pc) =	sbr.rel @p1 .LBB2_2-.Ltmp2, $2  }
0x2f: {  	_ =	sdelay $0x2  }
0x30: {  	s28 =	sshra.s32 s28, $0x2  }
0x31: {  	[tilespmem:s28+$0xFC80] =	vst v0  }
0x32: {  	[hbm4b:s8+s3] =	stream.linear.scatter [tilespmem:s18], [sflag:$0x2], $0x5F0, $0x38;
	[tilespmem:$0x10280] =	vst v63  }
0x33: {  	_ =	swait.ge [sflag:s19], $0x1F40  }
0x34: {  	[sflag:s19] =	ssyncset.done $0x0  }
0x35: {  	s26 =	simm.s32 $0xC0;
	[sflag:s19] =	ssyncadd.s32 $0xFFFFE0C0  }
0x36: {  	v1 =	vld [tilespmem:s26+$0x30]  }
0x37: {  	v2 =	vld [tilespmem:s26+$0xFFFFFFD0]  }
0x38: {  	v3 =	vld [tilespmem:s26+$0xFFFFFFE0]  }
0x39: {  	v4 =	vld [tilespmem:s26+$0xFFFFFFF0]  }
0x3a: {  	v5 =	vld [tilespmem:s26+$0x0]  }
0x3b: {  	v7 =	vld [tilespmem:s26+$0x10]  }
0x3c: {  	v8 =	vld [tilespmem:s26+$0x20]  }
0x3d: {  	v9 =	vld [tilespmem:s26+$0xFFFFFFC0];
	s26 =	simm.s32 $0x0  }
0x3e: {  	v10 =	vld.idx.msk [tilespmem:v1+s26+$0x0], $0xffff  }
0x3f: {  	v11 =	vld.idx.msk [tilespmem:v2+s26+$0x0], $0xffff  }
0x40: {  	v6 =	vld.idx.msk [tilespmem:v3+s26+$0x0], $0xffff  }
0x41: {  	v4 =	vld.idx.msk [tilespmem:v4+s26+$0x0], $0xffff  }
0x42: {  	v1 =	vld.idx.msk [tilespmem:v5+s26+$0x0], $0xffff  }
0x43: {  	s28 =	simm.s32 $0x7EC0;
	v2 =	vld.idx.msk [tilespmem:v7+s26+$0x0], $0xffff  }
0x44: {  	v3 =	vld.idx.msk [tilespmem:v8+s26+$0x0], $0xffff;
	[tilespmem:s28+$0x30] =	vst v10  }
0x45: {  	s29 =	simm.s32 $0x0;
	s30 =	simm.s32 $0x140;
	v5 =	vld.idx.msk [tilespmem:v9+s26+$0x0], $0xffff;
	[tilespmem:s28+$0xFFFFFFD0] =	vst v11  }
.LBB2_4:
0x46: {  	v7 =	vld [tilespmem:s30+$0x30];
	s29 =	sadd.s32 $0x8, s29;
	[tilespmem:s28+$0xFFFFFFE0] =	vst v6  }
0x47: {  	v6 =	vld [tilespmem:s30+$0xFFFFFFD0];
	p1 =	slt.u32 s29, $0x1E8;
	[tilespmem:s28+$0xFFFFFFF0] =	vst v4  }
0x48: {  	v4 =	vld [tilespmem:s30+$0xFFFFFFE0];
	[tilespmem:s28+$0x0] =	vst v1  }
0x49: {  	v1 =	vld [tilespmem:s30+$0xFFFFFFF0];
	[tilespmem:s28+$0x10] =	vst v2  }
0x4a: {  	v2 =	vld [tilespmem:s30+$0x0];
	[tilespmem:s28+$0x20] =	vst v3  }
0x4b: {  	v3 =	vld [tilespmem:s30+$0x10];
	[tilespmem:s28+$0xFFFFFFC0] =	vst v5  }
0x4c: {  	v5 =	vld [tilespmem:s30+$0x20]  }
0x4d: {  	v8 =	vld [tilespmem:s30+$0xFFFFFFC0]  }
0x4e: {  	v7 =	vld.idx.msk [tilespmem:v7+s26+$0x0], $0xffff  }
0x4f: {  	v9 =	vld.idx.msk [tilespmem:v6+s26+$0x0], $0xffff  }
0x50: {  	v6 =	vld.idx.msk [tilespmem:v4+s26+$0x0], $0xffff  }
.Ltmp3:
0x51: {  	v4 =	vld.idx.msk [tilespmem:v1+s26+$0x0], $0xffff;
	(pc) =	sbr.rel @p1 .LBB2_4-.Ltmp3, $4  }
0x52: {  	v1 =	vld.idx.msk [tilespmem:v2+s26+$0x0], $0xffff  }
0x53: {  	s28 =	sadd.s32 $0x80, s28;
	v2 =	vld.idx.msk [tilespmem:v3+s26+$0x0], $0xffff  }
0x54: {  	v3 =	vld.idx.msk [tilespmem:v5+s26+$0x0], $0xffff;
	[tilespmem:s28+$0x30] =	vst v7  }
0x55: {  	s30 =	sadd.s32 $0x80, s30;
	v5 =	vld.idx.msk [tilespmem:v8+s26+$0x0], $0xffff;
	[tilespmem:s28+$0xFFFFFFD0] =	vst v9  }
0x56: {  	[tilespmem:s28+$0xFFFFFFE0] =	vst v6  }
0x57: {  	[tilespmem:s28+$0xFFFFFFF0] =	vst v4  }
0x58: {  	[tilespmem:s28+$0x0] =	vst v1  }
0x59: {  	[tilespmem:s28+$0x10] =	vst v2  }
0x5a: {  	[tilespmem:s28+$0x20] =	vst v3  }
0x5b: {  	[tilespmem:s28+$0xFFFFFFC0] =	vst v5  }
.LBB2_6:
0x5c: {  	s28 =	sshra.s32 s26, $0x2  }
0x5d: {  	v1 =	vld [tilespmem:s28+$0x1F80];
	_ =	sdelay $0x7  }
0x5e: {  	p1 =	sne.s32 s26, $0xC0;
	v1 =	vld.idx.msk [tilespmem:v1+s3+$0x0], $0xffff  }
.Ltmp4:
0x5f: {  	_ = 	snop;
	(pc) =	sbr.rel @p1 .LBB2_6-.Ltmp4, $2  }
0x60: {  	_ =	sdelay $0x2  }
0x61: {  	s26 =	sadd.s32 $0x40, s26;
	[tilespmem:s28+$0x9D80] =	vst v1  }
0x62: {  	[hbm4b:s9+s3] =	stream.linear.scatter [tilespmem:s20], [sflag:$0x2], $0x1F40, $0x38;
	[tilespmem:$0x10280] =	vst v63  }
0x63: {  	_ =	swait.ge [sflag:s19], $0x1F40  }
0x64: {  	[sflag:s19] =	ssyncset.done $0x0  }
0x65: {  	s26 =	simm.s32 $0x2040;
	[sflag:s19] =	ssyncadd.s32 $0xFFFFE0C0  }
0x66: {  	v1 =	vld [tilespmem:s26+$0x30]  }
0x67: {  	v2 =	vld [tilespmem:s26+$0xFFFFFFD0]  }
0x68: {  	v3 =	vld [tilespmem:s26+$0xFFFFFFE0]  }
0x69: {  	v4 =	vld [tilespmem:s26+$0xFFFFFFF0]  }
0x6a: {  	v5 =	vld [tilespmem:s26+$0x0]  }
0x6b: {  	v7 =	vld [tilespmem:s26+$0x10]  }
0x6c: {  	v8 =	vld [tilespmem:s26+$0x20]  }
0x6d: {  	v9 =	vld [tilespmem:s26+$0xFFFFFFC0];
	s26 =	simm.s32 $0x0  }
0x6e: {  	v10 =	vld.idx.msk [tilespmem:v1+s26+$0x0], $0xffff  }
0x6f: {  	v11 =	vld.idx.msk [tilespmem:v2+s26+$0x0], $0xffff  }
0x70: {  	v6 =	vld.idx.msk [tilespmem:v3+s26+$0x0], $0xffff  }
0x71: {  	v4 =	vld.idx.msk [tilespmem:v4+s26+$0x0], $0xffff  }
0x72: {  	v1 =	vld.idx.msk [tilespmem:v5+s26+$0x0], $0xffff  }
0x73: {  	s28 =	simm.s32 $0x9E40;
	v2 =	vld.idx.msk [tilespmem:v7+s26+$0x0], $0xffff  }
0x74: {  	v3 =	vld.idx.msk [tilespmem:v8+s26+$0x0], $0xffff;
	[tilespmem:s28+$0x30] =	vst v10  }
0x75: {  	s29 =	simm.s32 $0x0;
	s30 =	simm.s32 $0x20C0;
	v5 =	vld.idx.msk [tilespmem:v9+s26+$0x0], $0xffff;
	[tilespmem:s28+$0xFFFFFFD0] =	vst v11  }
.LBB2_8:
0x76: {  	v7 =	vld [tilespmem:s30+$0x30];
	s29 =	sadd.s32 $0x8, s29;
	[tilespmem:s28+$0xFFFFFFE0] =	vst v6  }
0x77: {  	v6 =	vld [tilespmem:s30+$0xFFFFFFD0];
	p1 =	slt.u32 s29, $0x1E8;
	[tilespmem:s28+$0xFFFFFFF0] =	vst v4  }
0x78: {  	v4 =	vld [tilespmem:s30+$0xFFFFFFE0];
	[tilespmem:s28+$0x0] =	vst v1  }
0x79: {  	v1 =	vld [tilespmem:s30+$0xFFFFFFF0];
	[tilespmem:s28+$0x10] =	vst v2  }
0x7a: {  	v2 =	vld [tilespmem:s30+$0x0];
	[tilespmem:s28+$0x20] =	vst v3  }
0x7b: {  	v3 =	vld [tilespmem:s30+$0x10];
	[tilespmem:s28+$0xFFFFFFC0] =	vst v5  }
0x7c: {  	v5 =	vld [tilespmem:s30+$0x20]  }
0x7d: {  	v8 =	vld [tilespmem:s30+$0xFFFFFFC0]  }
0x7e: {  	v7 =	vld.idx.msk [tilespmem:v7+s26+$0x0], $0xffff  }
0x7f: {  	v9 =	vld.idx.msk [tilespmem:v6+s26+$0x0], $0xffff  }
0x80: {  	v6 =	vld.idx.msk [tilespmem:v4+s26+$0x0], $0xffff  }
.Ltmp5:
0x81: {  	v4 =	vld.idx.msk [tilespmem:v1+s26+$0x0], $0xffff;
	(pc) =	sbr.rel @p1 .LBB2_8-.Ltmp5, $4  }
0x82: {  	v1 =	vld.idx.msk [tilespmem:v2+s26+$0x0], $0xffff  }
0x83: {  	s28 =	sadd.s32 $0x80, s28;
	v2 =	vld.idx.msk [tilespmem:v3+s26+$0x0], $0xffff  }
0x84: {  	v3 =	vld.idx.msk [tilespmem:v5+s26+$0x0], $0xffff;
	[tilespmem:s28+$0x30] =	vst v7  }
0x85: {  	s30 =	sadd.s32 $0x80, s30;
	v5 =	vld.idx.msk [tilespmem:v8+s26+$0x0], $0xffff;
	[tilespmem:s28+$0xFFFFFFD0] =	vst v9  }
0x86: {  	[tilespmem:s28+$0xFFFFFFE0] =	vst v6  }
0x87: {  	[tilespmem:s28+$0xFFFFFFF0] =	vst v4  }
0x88: {  	[tilespmem:s28+$0x0] =	vst v1  }
0x89: {  	[tilespmem:s28+$0x10] =	vst v2  }
0x8a: {  	[tilespmem:s28+$0x20] =	vst v3  }
0x8b: {  	[tilespmem:s28+$0xFFFFFFC0] =	vst v5  }
.LBB2_10:
0x8c: {  	s28 =	sshra.s32 s26, $0x2  }
0x8d: {  	v1 =	vld [tilespmem:s28+$0x3F00];
	_ =	sdelay $0x7  }
0x8e: {  	p1 =	sne.s32 s26, $0xC0;
	v1 =	vld.idx.msk [tilespmem:v1+s3+$0x0], $0xffff  }
.Ltmp6:
0x8f: {  	_ = 	snop;
	(pc) =	sbr.rel @p1 .LBB2_10-.Ltmp6, $2  }
0x90: {  	_ =	sdelay $0x2  }
0x91: {  	s26 =	sadd.s32 $0x40, s26;
	[tilespmem:s28+$0xBD00] =	vst v1  }
0x92: {  	[hbm4b:s10+s3] =	stream.linear.scatter [tilespmem:s21], [sflag:$0x2], $0x1F40, $0x38;
	[tilespmem:$0x10280] =	vst v63  }
0x93: {  	_ =	swait.ge [sflag:s19], $0x1F40  }
0x94: {  	[sflag:s19] =	ssyncset.done $0x0  }
0x95: {  	s26 =	simm.s32 $0x3FC0;
	[sflag:s19] =	ssyncadd.s32 $0xFFFFE0C0  }
0x96: {  	v1 =	vld [tilespmem:s26+$0x30]  }
0x97: {  	v2 =	vld [tilespmem:s26+$0xFFFFFFD0]  }
0x98: {  	v3 =	vld [tilespmem:s26+$0xFFFFFFE0]  }
0x99: {  	v4 =	vld [tilespmem:s26+$0xFFFFFFF0]  }
0x9a: {  	v5 =	vld [tilespmem:s26+$0x0]  }
0x9b: {  	v7 =	vld [tilespmem:s26+$0x10]  }
0x9c: {  	v8 =	vld [tilespmem:s26+$0x20]  }
0x9d: {  	v9 =	vld [tilespmem:s26+$0xFFFFFFC0];
	s26 =	simm.s32 $0x0  }
0x9e: {  	v10 =	vld.idx.msk [tilespmem:v1+s26+$0x0], $0xffff  }
0x9f: {  	v11 =	vld.idx.msk [tilespmem:v2+s26+$0x0], $0xffff  }
0xa0: {  	v6 =	vld.idx.msk [tilespmem:v3+s26+$0x0], $0xffff  }
0xa1: {  	v4 =	vld.idx.msk [tilespmem:v4+s26+$0x0], $0xffff  }
0xa2: {  	v1 =	vld.idx.msk [tilespmem:v5+s26+$0x0], $0xffff  }
0xa3: {  	s28 =	simm.s32 $0xBDC0;
	v2 =	vld.idx.msk [tilespmem:v7+s26+$0x0], $0xffff  }
0xa4: {  	v3 =	vld.idx.msk [tilespmem:v8+s26+$0x0], $0xffff;
	[tilespmem:s28+$0x30] =	vst v10  }
0xa5: {  	s29 =	simm.s32 $0x0;
	s30 =	simm.s32 $0x4040;
	v5 =	vld.idx.msk [tilespmem:v9+s26+$0x0], $0xffff;
	[tilespmem:s28+$0xFFFFFFD0] =	vst v11  }
.LBB2_12:
0xa6: {  	v7 =	vld [tilespmem:s30+$0x30];
	s29 =	sadd.s32 $0x8, s29;
	[tilespmem:s28+$0xFFFFFFE0] =	vst v6  }
0xa7: {  	v6 =	vld [tilespmem:s30+$0xFFFFFFD0];
	p1 =	slt.u32 s29, $0x1E8;
	[tilespmem:s28+$0xFFFFFFF0] =	vst v4  }
0xa8: {  	v4 =	vld [tilespmem:s30+$0xFFFFFFE0];
	[tilespmem:s28+$0x0] =	vst v1  }
0xa9: {  	v1 =	vld [tilespmem:s30+$0xFFFFFFF0];
	[tilespmem:s28+$0x10] =	vst v2  }
0xaa: {  	v2 =	vld [tilespmem:s30+$0x0];
	[tilespmem:s28+$0x20] =	vst v3  }
0xab: {  	v3 =	vld [tilespmem:s30+$0x10];
	[tilespmem:s28+$0xFFFFFFC0] =	vst v5  }
0xac: {  	v5 =	vld [tilespmem:s30+$0x20]  }
0xad: {  	v8 =	vld [tilespmem:s30+$0xFFFFFFC0]  }
0xae: {  	v7 =	vld.idx.msk [tilespmem:v7+s26+$0x0], $0xffff  }
0xaf: {  	v9 =	vld.idx.msk [tilespmem:v6+s26+$0x0], $0xffff  }
0xb0: {  	v6 =	vld.idx.msk [tilespmem:v4+s26+$0x0], $0xffff  }
.Ltmp7:
0xb1: {  	v4 =	vld.idx.msk [tilespmem:v1+s26+$0x0], $0xffff;
	(pc) =	sbr.rel @p1 .LBB2_12-.Ltmp7, $4  }
0xb2: {  	v1 =	vld.idx.msk [tilespmem:v2+s26+$0x0], $0xffff  }
0xb3: {  	s28 =	sadd.s32 $0x80, s28;
	v2 =	vld.idx.msk [tilespmem:v3+s26+$0x0], $0xffff  }
0xb4: {  	v3 =	vld.idx.msk [tilespmem:v5+s26+$0x0], $0xffff;
	[tilespmem:s28+$0x30] =	vst v7  }
0xb5: {  	s30 =	sadd.s32 $0x80, s30;
	v5 =	vld.idx.msk [tilespmem:v8+s26+$0x0], $0xffff;
	[tilespmem:s28+$0xFFFFFFD0] =	vst v9  }
0xb6: {  	[tilespmem:s28+$0xFFFFFFE0] =	vst v6  }
0xb7: {  	[tilespmem:s28+$0xFFFFFFF0] =	vst v4  }
0xb8: {  	[tilespmem:s28+$0x0] =	vst v1  }
0xb9: {  	[tilespmem:s28+$0x10] =	vst v2  }
0xba: {  	[tilespmem:s28+$0x20] =	vst v3  }
0xbb: {  	[tilespmem:s28+$0xFFFFFFC0] =	vst v5  }
.LBB2_14:
0xbc: {  	s28 =	sshra.s32 s26, $0x2  }
0xbd: {  	v1 =	vld [tilespmem:s28+$0x5E80];
	_ =	sdelay $0x7  }
0xbe: {  	p1 =	sne.s32 s26, $0xC0;
	v1 =	vld.idx.msk [tilespmem:v1+s3+$0x0], $0xffff  }
.Ltmp8:
0xbf: {  	_ = 	snop;
	(pc) =	sbr.rel @p1 .LBB2_14-.Ltmp8, $2  }
0xc0: {  	_ =	sdelay $0x2  }
0xc1: {  	s26 =	sadd.s32 $0x40, s26;
	[tilespmem:s28+$0xDC80] =	vst v1  }
.Ltmp9:
0xc2: {  	(pc) =	sbr.rel @p0 .LBB2_21-.Ltmp9, $2  }
0xc3: {  	_ =	sdelay $0x2  }
0xc4: {  	[hbm4b:s11+s3] =	stream.linear.scatter [tilespmem:s22], [sflag:$0x2], $0x1F40, $0x38;
	[tilespmem:$0x10280] =	vst v63  }
0xc5: {  	_ =	swait.ge [sflag:s19], $0x1F40  }
0xc6: {  	[sflag:s19] =	ssyncset.done $0x0  }
0xc7: {  	s26 =	simm.s32 $0x5F40;
	[sflag:s19] =	ssyncadd.s32 $0xFFFFE0C0  }
0xc8: {  	v1 =	vld [tilespmem:s26+$0x30]  }
0xc9: {  	v2 =	vld [tilespmem:s26+$0xFFFFFFD0]  }
0xca: {  	v3 =	vld [tilespmem:s26+$0xFFFFFFE0]  }
0xcb: {  	v4 =	vld [tilespmem:s26+$0xFFFFFFF0]  }
0xcc: {  	v5 =	vld [tilespmem:s26+$0x0]  }
0xcd: {  	v7 =	vld [tilespmem:s26+$0x10]  }
0xce: {  	v8 =	vld [tilespmem:s26+$0x20]  }
0xcf: {  	v9 =	vld [tilespmem:s26+$0xFFFFFFC0];
	s26 =	simm.s32 $0x0  }
0xd0: {  	v10 =	vld.idx.msk [tilespmem:v1+s26+$0x0], $0xffff  }
0xd1: {  	v11 =	vld.idx.msk [tilespmem:v2+s26+$0x0], $0xffff  }
0xd2: {  	v6 =	vld.idx.msk [tilespmem:v3+s26+$0x0], $0xffff  }
0xd3: {  	v4 =	vld.idx.msk [tilespmem:v4+s26+$0x0], $0xffff  }
0xd4: {  	v1 =	vld.idx.msk [tilespmem:v5+s26+$0x0], $0xffff  }
0xd5: {  	s28 =	simm.s32 $0xDD40;
	v2 =	vld.idx.msk [tilespmem:v7+s26+$0x0], $0xffff  }
0xd6: {  	v3 =	vld.idx.msk [tilespmem:v8+s26+$0x0], $0xffff;
	[tilespmem:s28+$0x30] =	vst v10  }
0xd7: {  	s29 =	simm.s32 $0x0;
	s30 =	simm.s32 $0x5FC0;
	v5 =	vld.idx.msk [tilespmem:v9+s26+$0x0], $0xffff;
	[tilespmem:s28+$0xFFFFFFD0] =	vst v11  }
.LBB2_17:
0xd8: {  	v7 =	vld [tilespmem:s30+$0x30];
	s29 =	sadd.s32 $0x8, s29;
	[tilespmem:s28+$0xFFFFFFE0] =	vst v6  }
0xd9: {  	v6 =	vld [tilespmem:s30+$0xFFFFFFD0];
	p1 =	slt.u32 s29, $0x1E8;
	[tilespmem:s28+$0xFFFFFFF0] =	vst v4  }
0xda: {  	v4 =	vld [tilespmem:s30+$0xFFFFFFE0];
	[tilespmem:s28+$0x0] =	vst v1  }
0xdb: {  	v1 =	vld [tilespmem:s30+$0xFFFFFFF0];
	[tilespmem:s28+$0x10] =	vst v2  }
0xdc: {  	v2 =	vld [tilespmem:s30+$0x0];
	[tilespmem:s28+$0x20] =	vst v3  }
0xdd: {  	v3 =	vld [tilespmem:s30+$0x10];
	[tilespmem:s28+$0xFFFFFFC0] =	vst v5  }
0xde: {  	v5 =	vld [tilespmem:s30+$0x20]  }
0xdf: {  	v8 =	vld [tilespmem:s30+$0xFFFFFFC0]  }
0xe0: {  	v7 =	vld.idx.msk [tilespmem:v7+s26+$0x0], $0xffff  }
0xe1: {  	v9 =	vld.idx.msk [tilespmem:v6+s26+$0x0], $0xffff  }
0xe2: {  	v6 =	vld.idx.msk [tilespmem:v4+s26+$0x0], $0xffff  }
.Ltmp10:
0xe3: {  	v4 =	vld.idx.msk [tilespmem:v1+s26+$0x0], $0xffff;
	(pc) =	sbr.rel @p1 .LBB2_17-.Ltmp10, $4  }
0xe4: {  	v1 =	vld.idx.msk [tilespmem:v2+s26+$0x0], $0xffff  }
0xe5: {  	s28 =	sadd.s32 $0x80, s28;
	v2 =	vld.idx.msk [tilespmem:v3+s26+$0x0], $0xffff  }
0xe6: {  	v3 =	vld.idx.msk [tilespmem:v5+s26+$0x0], $0xffff;
	[tilespmem:s28+$0x30] =	vst v7  }
0xe7: {  	s30 =	sadd.s32 $0x80, s30;
	v5 =	vld.idx.msk [tilespmem:v8+s26+$0x0], $0xffff;
	[tilespmem:s28+$0xFFFFFFD0] =	vst v9  }
0xe8: {  	[tilespmem:s28+$0xFFFFFFE0] =	vst v6  }
0xe9: {  	[tilespmem:s28+$0xFFFFFFF0] =	vst v4  }
0xea: {  	[tilespmem:s28+$0x0] =	vst v1  }
0xeb: {  	[tilespmem:s28+$0x10] =	vst v2  }
0xec: {  	[tilespmem:s28+$0x20] =	vst v3  }
0xed: {  	[tilespmem:s28+$0xFFFFFFC0] =	vst v5  }
.LBB2_19:
0xee: {  	s28 =	sshra.s32 s26, $0x2  }
0xef: {  	v1 =	vld [tilespmem:s28+$0x7E00];
	_ =	sdelay $0x7  }
0xf0: {  	p1 =	sne.s32 s26, $0xC0;
	v1 =	vld.idx.msk [tilespmem:v1+s3+$0x0], $0xffff  }
.Ltmp11:
0xf1: {  	_ = 	snop;
	(pc) =	sbr.rel @p1 .LBB2_19-.Ltmp11, $2  }
0xf2: {  	_ =	sdelay $0x2  }
0xf3: {  	s26 =	sadd.s32 $0x40, s26;
	[tilespmem:s28+$0xFC00] =	vst v1  }
.Ltmp12:
0xf4: {  	(pc) =	sbr.rel .LBB2_21-.Ltmp12, $2  }
0xf5: {  	_ =	sdelay $0x2  }
0xf6: {  	[hbm4b:s12+s3] =	stream.linear.scatter [tilespmem:s23], [sflag:$0x2], $0x1F40, $0x38;
	[tilespmem:$0x10280] =	vst v63  }
.LBB2_22:
0xf7: {  	_ =	sfence.sel $0x180000  }
0xf8: {  	[bflag:$0x0] =	sbarrier.arrive $0xFFFF  }
0xf9: {  	p0 =	sne.s32 s0, $0x0;
	_ =	strace $0x90000047  }
0xfa: {  	s0 =	sadd.s32 @!p0 $0x100000, s1;
	[bflag:$0x2] =	sbarrier.arrive $0xFFFF  }
0xfb: {  	[sflag:s0] =	ssyncadd.tile.s32 @!p0 $0x1;
	_ =	shalt  }
.Lfunc_end2:
_tile_overlayer_lowered:
.L_overlay_start_2:
0xfc: {  	(tag) =	ssettag $0x2  }
0xfd: {  	s0 =	rddreg [dreg:$0x0];
	s2 =	stileid.u32  }
0xfe: {  	s1 =	rddreg [dreg:$0x1];
	p0 =	sne.s32 s2, $0x0  }
0xff: {  	s3 =	rddreg [dreg:$0x2];
	[bflag:$0x3] =	sbarrier.arrive $0xFFFF;
	s2 =	simm.s32 @!p0 $0x1C03  }
0x100: {  	[timem:s3], [sflag:s2] =	dma.local @!p0 [hbm:s0], s1  }
0x101: {  	s0 =	simm.s32 @!p0 $0x3  }
0x102: {  	_ =	swait.ge @!p0 [sflag:s0], s1  }
0x103: {  	s1 =	ssub.s32 @!p0 $0x0, s1;
	[sflag:s0] =	ssyncset.done @!p0 $0x0  }
0x104: {  	[sflag:s0] =	ssyncadd.s32 @!p0 s1  }
0x105: {  	[bflag:$0x3] =	sbarrier.arrive $0xFFFF  }
0x106: {  	_ =	shalt  }

</sc_bundles>
